<compile_context>
chip_gen: v7x
topology: tpu7x:2x2x1
jax: 0.10.2.dev20260603
libtpu: 0.0.44.dev20260713+nightly
codegen_flags: <defaults>
</compile_context>

<pallas_src>
import functools

import jax
import jax.numpy as jnp
from jax import lax
from jax.experimental import pallas as pl
from jax.experimental.pallas import tpu as pltpu
from jax.experimental.pallas import tpu_sc as plsc

TABLE_ROWS = 100000
TABLE_COLS = 100
BATCH = 16384

_INFO = plsc.get_sparse_core_info()
_NC = _INFO.num_cores
_NS = _INFO.num_subcores
_L = _INFO.num_lanes
_NW = _NC * _NS
_BPW = BATCH // _NW
_G = 32
_NGRP = _BPW // _G

_mesh = plsc.VectorSubcoreMesh(core_axis_name="c", subcore_axis_name="s")


@functools.partial(
    pl.kernel,
    mesh=_mesh,
    out_type=jax.ShapeDtypeStruct((BATCH,), jnp.float32),
    scratch_types=[
        pltpu.VMEM((_BPW + _L,), jnp.int32),
        pltpu.VMEM((_BPW + _L,), jnp.int32),
        pltpu.VMEM((_G * 8 + 1, 128), jnp.float32),
        pltpu.VMEM((_G * 8 + 1, 128), jnp.float32),
        pltpu.VMEM((_BPW * _L,), jnp.float32),
        pltpu.VMEM((_BPW,), jnp.float32),
        pltpu.SemaphoreType.DMA,
        pltpu.SemaphoreType.DMA,
    ],
    compiler_params=pltpu.CompilerParams(disable_bounds_checks=True,
                                         needs_layout_passes=False),
)
def _gather_kernel(idx0_hbm, idx1_hbm, table_t_hbm, out_hbm,
                   i0_v, i1_v, buf0, buf1, wide_v, val_v, sem0, sem1):
    wid = lax.axis_index("s") * _NC + lax.axis_index("c")
    base = wid * _BPW
    pltpu.sync_copy(idx0_hbm.at[pl.ds(base, _BPW)], i0_v.at[pl.ds(0, _BPW)])
    pltpu.sync_copy(idx1_hbm.at[pl.ds(base, _BPW)], i1_v.at[pl.ds(0, _BPW)])

    def fire_group(g, buf, sem):
        @plsc.parallel_loop(0, _G, step=4, unroll=1)
        def _fire(u):
            for uu in range(4):
                k = g * _G + u + uu
                r = i0_v[pl.ds(k, _L)][0]
                c = i1_v[pl.ds(k, _L)][0]
                c8 = pl.multiple_of((c >> 3) * 8, 8)
                r128 = pl.multiple_of((r >> 7) * 128, 128)
                pltpu.async_copy(
                    table_t_hbm.at[pl.ds(c8, 8), pl.ds(r128, 128)],
                    buf.at[pl.ds((u + uu) * 8, 8), :], sem)

    def drain_group(sem):
        for _ in range(4):
            pltpu.make_async_copy(
                out_hbm.at[pl.ds(0, _G * 256)],
                wide_v.at[pl.ds(0, _G * 256)], sem).wait()

    def extract_group(g, buf):
        @plsc.parallel_loop(0, _G, step=4, unroll=1)
        def _extract(u):
            for uu in range(4):
                k = g * _G + u + uu
                r = i0_v[pl.ds(k, _L)][0]
                c = i1_v[pl.ds(k, _L)][0]
                row = (u + uu) * 8 + (c & 7)
                w = buf[row, pl.ds(r & 127, _L)]
                wide_v[pl.ds(k * _L, _L)] = w

    fire_group(0, buf0, sem0)

    def group_body(g, carry):
        even = (g & 1) == 0

        @pl.when(even)
        def _():
            drain_group(sem0)

            @pl.when(g + 1 < _NGRP)
            def _():
                fire_group(g + 1, buf1, sem1)

            extract_group(g, buf0)

        @pl.when(jnp.logical_not(even))
        def _():
            drain_group(sem1)

            @pl.when(g + 1 < _NGRP)
            def _():
                fire_group(g + 1, buf0, sem0)

            extract_group(g, buf1)

        return carry

    lax.fori_loop(0, _NGRP, group_body, 0)

    @plsc.parallel_loop(0, _BPW, step=_L, unroll=1)
    def _compact(k):
        flat = (lax.iota(jnp.int32, _L) + k) * _L
        val_v[pl.ds(k, _L)] = plsc.load_gather(wide_v, [flat])

    pltpu.sync_copy(val_v, out_hbm.at[pl.ds(base, _BPW)])


def kernel(idx0, idx1, lookup):
    return _gather_kernel(idx0.astype(jnp.int32), idx1.astype(jnp.int32), lookup.T)

# --- scband reference (transcript-rebuilt; emitter-appended) ---
"""Pipeline reference for scband-interaction-layer-23003844837805 (READ-ONLY COPY).

The authoritative reference and input builder live on the scoring server;
editing this copy changes nothing except your own understanding.
"""

import jax, jax.numpy as jnp
import numpy as np

TABLE_SHAPE = (100000, 100)
BATCH = 16384


def setup_inputs(seed: int = 0) -> dict:
    key = jax.random.key(seed)
    k1, k2, k3 = jax.random.split(key, 3)
    idx0 = jax.random.randint(k1, (BATCH,), 0, TABLE_SHAPE[0])
    idx1 = jax.random.randint(k2, (BATCH,), 0, TABLE_SHAPE[1])
    # learned parameter: interaction lookup table (built via add_weight in keras)
    lookup = jax.random.normal(k3, TABLE_SHAPE, dtype=jnp.float32) * 0.05
    return {"idx0": idx0, "idx1": idx1, "lookup": lookup}


def reference(idx0, idx1, lookup):
    # indx = tf.stack(inputs, axis=-1) -> shape [B, 2]
    indx = jnp.stack([idx0, idx1], axis=-1)
    # tf.gather_nd(lookup, indx): index the 2-D table with the last-dim index tuples
    out = lookup[indx[..., 0], indx[..., 1]]
    return out

if __name__ == "__main__":
    import jax
    _d = setup_inputs()
    print(jax.jit(kernel)(*tuple(_d.values())))

</pallas_src>

<mosaic_0001>
#map = affine_map<(d0, d1) -> (0)>
#map1 = affine_map<(d0, d1) -> (0, 0)>
module attributes {stable_mosaic.version = 14 : i64} {
  func.func @_gather_kernel(%arg0: i32, %arg1: i32, %arg2: memref<16384xi32, #tpu.memory_space<hbm>>, %arg3: memref<16384xi32, #tpu.memory_space<hbm>>, %arg4: memref<100x100000xf32, #tpu.memory_space<hbm>>, %arg5: memref<16384xf32, #tpu.memory_space<hbm>>, %arg6: memref<528xi32, #tpu.memory_space<vmem>>, %arg7: memref<528xi32, #tpu.memory_space<vmem>>, %arg8: memref<257x128xf32, #tpu.memory_space<vmem>>, %arg9: memref<257x128xf32, #tpu.memory_space<vmem>>, %arg10: memref<8192xf32, #tpu.memory_space<vmem>>, %arg11: memref<512xf32, #tpu.memory_space<vmem>>, %arg12: memref<!tpu.dma_semaphore, #tpu.memory_space<semaphore_mem>>, %arg13: memref<!tpu.dma_semaphore, #tpu.memory_space<semaphore_mem>>) attributes {dimension_semantics = [#tpu.dimension_semantics<core_parallel>, #tpu.dimension_semantics<subcore_parallel>], iteration_bounds = array<i64: 2, 16>, scalar_prefetch = 0 : i64, scratch_operands = 8 : i64, tpu.core_type = #tpu.core_type<sc_vector_subcore>, window_params = [{transform_indices = #map}, {transform_indices = #map}, {transform_indices = #map1}, {transform_indices = #map}]} {
    %mul3A = arith.constant 2 : i32
    %mul3A_0 = arith.muli %arg1, %mul3A : i32
    %add3A = arith.addi %mul3A_0, %arg0 : i32
    %mul3A_1 = arith.constant 512 : i32
    %mul3A_2 = arith.muli %add3A, %mul3A_1 : i32
    "tpu.region"() ({
      %run_scoped3A = tpu.sem_alloc : memref<!tpu.dma_semaphore, #tpu.memory_space<semaphore_mem>>
      %dma_start3A = arith.constant 0 : i32
      %dma_start3A_13 = tpu.memref_slice %arg6[%dma_start3A] : memref<528xi32, #tpu.memory_space<vmem>> -> memref<512xi32, #tpu.memory_space<vmem>>
      %dma_start3A_14 = tpu.memref_slice %arg2[%mul3A_2] : memref<16384xi32, #tpu.memory_space<hbm>> -> memref<512xi32, #tpu.memory_space<hbm>>
      %dma_start3A_15 = arith.constant 0 : i32
      %dma_start3A_16 = tpu.memref_slice %arg6[%dma_start3A_15] : memref<528xi32, #tpu.memory_space<vmem>> -> memref<512xi32, #tpu.memory_space<vmem>>
      %dma_start3A_17 = tpu.memref_slice %arg2[%mul3A_2] : memref<16384xi32, #tpu.memory_space<hbm>> -> memref<512xi32, #tpu.memory_space<hbm>>
      tpu.enqueue_dma source(%dma_start3A_17 : memref<512xi32, #tpu.memory_space<hbm>>) target(%dma_start3A_16 : memref<512xi32, #tpu.memory_space<vmem>>) target_semaphore(%run_scoped3A : memref<!tpu.dma_semaphore, #tpu.memory_space<semaphore_mem>>)
      %dma_wait3A = arith.constant 0 : i32
      %dma_wait3A_18 = tpu.memref_slice %arg6[%dma_wait3A] : memref<528xi32, #tpu.memory_space<vmem>> -> memref<512xi32, #tpu.memory_space<vmem>>
      %dma_wait3A_19 = tpu.memref_slice %arg2[%mul3A_2] : memref<16384xi32, #tpu.memory_space<hbm>> -> memref<512xi32, #tpu.memory_space<hbm>>
      %dma_wait3A_20 = arith.constant 0 : i32
      %dma_wait3A_21 = tpu.memref_slice %arg6[%dma_wait3A_20] : memref<528xi32, #tpu.memory_space<vmem>> -> memref<512xi32, #tpu.memory_space<vmem>>
      %dma_wait3A_22 = tpu.memref_slice %arg2[%mul3A_2] : memref<16384xi32, #tpu.memory_space<hbm>> -> memref<512xi32, #tpu.memory_space<hbm>>
      tpu.wait_dma2 semaphore(%run_scoped3A : memref<!tpu.dma_semaphore, #tpu.memory_space<semaphore_mem>>) src(%dma_wait3A_22 : memref<512xi32, #tpu.memory_space<hbm>>) dst(%dma_wait3A_21 : memref<512xi32, #tpu.memory_space<vmem>>)
      tpu.yield
    }) : () -> ()
    "tpu.region"() ({
      %run_scoped3A = tpu.sem_alloc : memref<!tpu.dma_semaphore, #tpu.memory_space<semaphore_mem>>
      %dma_start3A = arith.constant 0 : i32
      %dma_start3A_13 = tpu.memref_slice %arg7[%dma_start3A] : memref<528xi32, #tpu.memory_space<vmem>> -> memref<512xi32, #tpu.memory_space<vmem>>
      %dma_start3A_14 = tpu.memref_slice %arg3[%mul3A_2] : memref<16384xi32, #tpu.memory_space<hbm>> -> memref<512xi32, #tpu.memory_space<hbm>>
      %dma_start3A_15 = arith.constant 0 : i32
      %dma_start3A_16 = tpu.memref_slice %arg7[%dma_start3A_15] : memref<528xi32, #tpu.memory_space<vmem>> -> memref<512xi32, #tpu.memory_space<vmem>>
      %dma_start3A_17 = tpu.memref_slice %arg3[%mul3A_2] : memref<16384xi32, #tpu.memory_space<hbm>> -> memref<512xi32, #tpu.memory_space<hbm>>
      tpu.enqueue_dma source(%dma_start3A_17 : memref<512xi32, #tpu.memory_space<hbm>>) target(%dma_start3A_16 : memref<512xi32, #tpu.memory_space<vmem>>) target_semaphore(%run_scoped3A : memref<!tpu.dma_semaphore, #tpu.memory_space<semaphore_mem>>)
      %dma_wait3A = arith.constant 0 : i32
      %dma_wait3A_18 = tpu.memref_slice %arg7[%dma_wait3A] : memref<528xi32, #tpu.memory_space<vmem>> -> memref<512xi32, #tpu.memory_space<vmem>>
      %dma_wait3A_19 = tpu.memref_slice %arg3[%mul3A_2] : memref<16384xi32, #tpu.memory_space<hbm>> -> memref<512xi32, #tpu.memory_space<hbm>>
      %dma_wait3A_20 = arith.constant 0 : i32
      %dma_wait3A_21 = tpu.memref_slice %arg7[%dma_wait3A_20] : memref<528xi32, #tpu.memory_space<vmem>> -> memref<512xi32, #tpu.memory_space<vmem>>
      %dma_wait3A_22 = tpu.memref_slice %arg3[%mul3A_2] : memref<16384xi32, #tpu.memory_space<hbm>> -> memref<512xi32, #tpu.memory_space<hbm>>
      tpu.wait_dma2 semaphore(%run_scoped3A : memref<!tpu.dma_semaphore, #tpu.memory_space<semaphore_mem>>) src(%dma_wait3A_22 : memref<512xi32, #tpu.memory_space<hbm>>) dst(%dma_wait3A_21 : memref<512xi32, #tpu.memory_space<vmem>>)
      tpu.yield
    }) : () -> ()
    %parallel_loop3A = arith.constant 0 : i32
    %parallel_loop3A_3 = arith.constant 32 : i32
    %parallel_loop3A_4 = arith.constant 4 : i32
    scf.for %parallel_loop3A_13 = %parallel_loop3A to %parallel_loop3A_3 step %parallel_loop3A_4  : i32 {
      %parallel_loop3A_14 = arith.constant 0 : i32
      %parallel_loop3A_15 = arith.addi %parallel_loop3A_14, %parallel_loop3A_13 : i32
      %parallel_loop3A_16 = arith.constant 0 : i32
      %parallel_loop3A_17 = arith.addi %parallel_loop3A_15, %parallel_loop3A_16 : i32
      %parallel_loop3A_18 = arith.index_cast %parallel_loop3A_17 : i32 to index
      %parallel_loop3A_19 = tpu.vector_load %arg6[%parallel_loop3A_18] {strides = array<i32>} : memref<528xi32, #tpu.memory_space<vmem>>, vector<16xi32>,
      %parallel_loop3A_20 = vector.extract_strided_slice %parallel_loop3A_19 {offsets = [0], sizes = [1], strides = [1]} : vector<16xi32> to vector<1xi32>
      %parallel_loop3A_21 = vector.extract %parallel_loop3A_20[0] : i32 from vector<1xi32>
      %parallel_loop3A_22 = arith.index_cast %parallel_loop3A_17 : i32 to index
      %parallel_loop3A_23 = tpu.vector_load %arg7[%parallel_loop3A_22] {strides = array<i32>} : memref<528xi32, #tpu.memory_space<vmem>>, vector<16xi32>,
      %parallel_loop3A_24 = vector.extract_strided_slice %parallel_loop3A_23 {offsets = [0], sizes = [1], strides = [1]} : vector<16xi32> to vector<1xi32>
      %parallel_loop3A_25 = vector.extract %parallel_loop3A_24[0] : i32 from vector<1xi32>
      %parallel_loop3A_26 = arith.constant 3 : i32
      %parallel_loop3A_27 = arith.shrsi %parallel_loop3A_25, %parallel_loop3A_26 : i32
      %parallel_loop3A_28 = arith.constant 8 : i32
      %parallel_loop3A_29 = arith.muli %parallel_loop3A_27, %parallel_loop3A_28 : i32
      %parallel_loop3A_30 = tpu.assume_multiple %parallel_loop3A_29, 8 : i32
      %parallel_loop3A_31 = arith.constant 7 : i32
      %parallel_loop3A_32 = arith.shrsi %parallel_loop3A_21, %parallel_loop3A_31 : i32
      %parallel_loop3A_33 = arith.constant 128 : i32
      %parallel_loop3A_34 = arith.muli %parallel_loop3A_32, %parallel_loop3A_33 : i32
      %parallel_loop3A_35 = tpu.assume_multiple %parallel_loop3A_34, 128 : i32
      %parallel_loop3A_36 = arith.constant 0 : i32
      %parallel_loop3A_37 = arith.addi %parallel_loop3A_13, %parallel_loop3A_36 : i32
      %parallel_loop3A_38 = arith.constant 8 : i32
      %parallel_loop3A_39 = arith.muli %parallel_loop3A_37, %parallel_loop3A_38 : i32
      %parallel_loop3A_40 = arith.constant 0 : i32
      %parallel_loop3A_41 = tpu.memref_slice %arg8[%parallel_loop3A_39, %parallel_loop3A_40] : memref<257x128xf32, #tpu.memory_space<vmem>> -> memref<8x128xf32, #tpu.memory_space<vmem>>
      %parallel_loop3A_42 = tpu.memref_slice %arg4[%parallel_loop3A_30, %parallel_loop3A_35] : memref<100x100000xf32, #tpu.memory_space<hbm>> -> memref<8x128xf32, #tpu.memory_space<hbm>>
      %parallel_loop3A_43 = arith.constant 0 : i32
      %parallel_loop3A_44 = tpu.memref_slice %arg8[%parallel_loop3A_39, %parallel_loop3A_43] : memref<257x128xf32, #tpu.memory_space<vmem>> -> memref<8x128xf32, #tpu.memory_space<vmem>>
      %parallel_loop3A_45 = tpu.memref_slice %arg4[%parallel_loop3A_30, %parallel_loop3A_35] : memref<100x100000xf32, #tpu.memory_space<hbm>> -> memref<8x128xf32, #tpu.memory_space<hbm>>
      tpu.enqueue_dma source(%parallel_loop3A_45 : memref<8x128xf32, #tpu.memory_space<hbm>>) target(%parallel_loop3A_44 : memref<8x128xf32, #tpu.memory_space<vmem>>) target_semaphore(%arg12 : memref<!tpu.dma_semaphore, #tpu.memory_space<semaphore_mem>>)
      %parallel_loop3A_46 = arith.constant 0 : i32
      %parallel_loop3A_47 = arith.addi %parallel_loop3A_46, %parallel_loop3A_13 : i32
      %parallel_loop3A_48 = arith.constant 1 : i32
      %parallel_loop3A_49 = arith.addi %parallel_loop3A_47, %parallel_loop3A_48 : i32
      %parallel_loop3A_50 = arith.index_cast %parallel_loop3A_49 : i32 to index
      %parallel_loop3A_51 = tpu.vector_load %arg6[%parallel_loop3A_50] {strides = array<i32>} : memref<528xi32, #tpu.memory_space<vmem>>, vector<16xi32>,
      %parallel_loop3A_52 = vector.extract_strided_slice %parallel_loop3A_51 {offsets = [0], sizes = [1], strides = [1]} : vector<16xi32> to vector<1xi32>
      %parallel_loop3A_53 = vector.extract %parallel_loop3A_52[0] : i32 from vector<1xi32>
      %parallel_loop3A_54 = arith.index_cast %parallel_loop3A_49 : i32 to index
      %parallel_loop3A_55 = tpu.vector_load %arg7[%parallel_loop3A_54] {strides = array<i32>} : memref<528xi32, #tpu.memory_space<vmem>>, vector<16xi32>,
      %parallel_loop3A_56 = vector.extract_strided_slice %parallel_loop3A_55 {offsets = [0], sizes = [1], strides = [1]} : vector<16xi32> to vector<1xi32>
      %parallel_loop3A_57 = vector.extract %parallel_loop3A_56[0] : i32 from vector<1xi32>
      %parallel_loop3A_58 = arith.constant 3 : i32
      %parallel_loop3A_59 = arith.shrsi %parallel_loop3A_57, %parallel_loop3A_58 : i32
      %parallel_loop3A_60 = arith.constant 8 : i32
      %parallel_loop3A_61 = arith.muli %parallel_loop3A_59, %parallel_loop3A_60 : i32
      %parallel_loop3A_62 = tpu.assume_multiple %parallel_loop3A_61, 8 : i32
      %parallel_loop3A_63 = arith.constant 7 : i32
      %parallel_loop3A_64 = arith.shrsi %parallel_loop3A_53, %parallel_loop3A_63 : i32
      %parallel_loop3A_65 = arith.constant 128 : i32
      %parallel_loop3A_66 = arith.muli %parallel_loop3A_64, %parallel_loop3A_65 : i32
      %parallel_loop3A_67 = tpu.assume_multiple %parallel_loop3A_66, 128 : i32
      %parallel_loop3A_68 = arith.constant 1 : i32
      %parallel_loop3A_69 = arith.addi %parallel_loop3A_13, %parallel_loop3A_68 : i32
      %parallel_loop3A_70 = arith.constant 8 : i32
      %parallel_loop3A_71 = arith.muli %parallel_loop3A_69, %parallel_loop3A_70 : i32
      %parallel_loop3A_72 = arith.constant 0 : i32
      %parallel_loop3A_73 = tpu.memref_slice %arg8[%parallel_loop3A_71, %parallel_loop3A_72] : memref<257x128xf32, #tpu.memory_space<vmem>> -> memref<8x128xf32, #tpu.memory_space<vmem>>
      %parallel_loop3A_74 = tpu.memref_slice %arg4[%parallel_loop3A_62, %parallel_loop3A_67] : memref<100x100000xf32, #tpu.memory_space<hbm>> -> memref<8x128xf32, #tpu.memory_space<hbm>>
      %parallel_loop3A_75 = arith.constant 0 : i32
      %parallel_loop3A_76 = tpu.memref_slice %arg8[%parallel_loop3A_71, %parallel_loop3A_75] : memref<257x128xf32, #tpu.memory_space<vmem>> -> memref<8x128xf32, #tpu.memory_space<vmem>>
      %parallel_loop3A_77 = tpu.memref_slice %arg4[%parallel_loop3A_62, %parallel_loop3A_67] : memref<100x100000xf32, #tpu.memory_space<hbm>> -> memref<8x128xf32, #tpu.memory_space<hbm>>
      tpu.enqueue_dma source(%parallel_loop3A_77 : memref<8x128xf32, #tpu.memory_space<hbm>>) target(%parallel_loop3A_76 : memref<8x128xf32, #tpu.memory_space<vmem>>) target_semaphore(%arg12 : memref<!tpu.dma_semaphore, #tpu.memory_space<semaphore_mem>>)
      %parallel_loop3A_78 = arith.constant 0 : i32
      %parallel_loop3A_79 = arith.addi %parallel_loop3A_78, %parallel_loop3A_13 : i32
      %parallel_loop3A_80 = arith.constant 2 : i32
      %parallel_loop3A_81 = arith.addi %parallel_loop3A_79, %parallel_loop3A_80 : i32
      %parallel_loop3A_82 = arith.index_cast %parallel_loop3A_81 : i32 to index
      %parallel_loop3A_83 = tpu.vector_load %arg6[%parallel_loop3A_82] {strides = array<i32>} : memref<528xi32, #tpu.memory_space<vmem>>, vector<16xi32>,
      %parallel_loop3A_84 = vector.extract_strided_slice %parallel_loop3A_83 {offsets = [0], sizes = [1], strides = [1]} : vector<16xi32> to vector<1xi32>
      %parallel_loop3A_85 = vector.extract %parallel_loop3A_84[0] : i32 from vector<1xi32>
      %parallel_loop3A_86 = arith.index_cast %parallel_loop3A_81 : i32 to index
      %parallel_loop3A_87 = tpu.vector_load %arg7[%parallel_loop3A_86] {strides = array<i32>} : memref<528xi32, #tpu.memory_space<vmem>>, vector<16xi32>,
      %parallel_loop3A_88 = vector.extract_strided_slice %parallel_loop3A_87 {offsets = [0], sizes = [1], strides = [1]} : vector<16xi32> to vector<1xi32>
      %parallel_loop3A_89 = vector.extract %parallel_loop3A_88[0] : i32 from vector<1xi32>
      %parallel_loop3A_90 = arith.constant 3 : i32
      %parallel_loop3A_91 = arith.shrsi %parallel_loop3A_89, %parallel_loop3A_90 : i32
      %parallel_loop3A_92 = arith.constant 8 : i32
      %parallel_loop3A_93 = arith.muli %parallel_loop3A_91, %parallel_loop3A_92 : i32
      %parallel_loop3A_94 = tpu.assume_multiple %parallel_loop3A_93, 8 : i32
      %parallel_loop3A_95 = arith.constant 7 : i32
      %parallel_loop3A_96 = arith.shrsi %parallel_loop3A_85, %parallel_loop3A_95 : i32
      %parallel_loop3A_97 = arith.constant 128 : i32
      %parallel_loop3A_98 = arith.muli %parallel_loop3A_96, %parallel_loop3A_97 : i32
      %parallel_loop3A_99 = tpu.assume_multiple %parallel_loop3A_98, 128 : i32
      %parallel_loop3A_100 = arith.constant 2 : i32
      %parallel_loop3A_101 = arith.addi %parallel_loop3A_13, %parallel_loop3A_100 : i32
      %parallel_loop3A_102 = arith.constant 8 : i32
      %parallel_loop3A_103 = arith.muli %parallel_loop3A_101, %parallel_loop3A_102 : i32
      %parallel_loop3A_104 = arith.constant 0 : i32
      %parallel_loop3A_105 = tpu.memref_slice %arg8[%parallel_loop3A_103, %parallel_loop3A_104] : memref<257x128xf32, #tpu.memory_space<vmem>> -> memref<8x128xf32, #tpu.memory_space<vmem>>
      %parallel_loop3A_106 = tpu.memref_slice %arg4[%parallel_loop3A_94, %parallel_loop3A_99] : memref<100x100000xf32, #tpu.memory_space<hbm>> -> memref<8x128xf32, #tpu.memory_space<hbm>>
      %parallel_loop3A_107 = arith.constant 0 : i32
      %parallel_loop3A_108 = tpu.memref_slice %arg8[%parallel_loop3A_103, %parallel_loop3A_107] : memref<257x128xf32, #tpu.memory_space<vmem>> -> memref<8x128xf32, #tpu.memory_space<vmem>>
      %parallel_loop3A_109 = tpu.memref_slice %arg4[%parallel_loop3A_94, %parallel_loop3A_99] : memref<100x100000xf32, #tpu.memory_space<hbm>> -> memref<8x128xf32, #tpu.memory_space<hbm>>
      tpu.enqueue_dma source(%parallel_loop3A_109 : memref<8x128xf32, #tpu.memory_space<hbm>>) target(%parallel_loop3A_108 : memref<8x128xf32, #tpu.memory_space<vmem>>) target_semaphore(%arg12 : memref<!tpu.dma_semaphore, #tpu.memory_space<semaphore_mem>>)
      %parallel_loop3A_110 = arith.constant 0 : i32
      %parallel_loop3A_111 = arith.addi %parallel_loop3A_110, %parallel_loop3A_13 : i32
      %parallel_loop3A_112 = arith.constant 3 : i32
      %parallel_loop3A_113 = arith.addi %parallel_loop3A_111, %parallel_loop3A_112 : i32
      %parallel_loop3A_114 = arith.index_cast %parallel_loop3A_113 : i32 to index
      %parallel_loop3A_115 = tpu.vector_load %arg6[%parallel_loop3A_114] {strides = array<i32>} : memref<528xi32, #tpu.memory_space<vmem>>, vector<16xi32>,
      %parallel_loop3A_116 = vector.extract_strided_slice %parallel_loop3A_115 {offsets = [0], sizes = [1], strides = [1]} : vector<16xi32> to vector<1xi32>
      %parallel_loop3A_117 = vector.extract %parallel_loop3A_116[0] : i32 from vector<1xi32>
      %parallel_loop3A_118 = arith.index_cast %parallel_loop3A_113 : i32 to index
      %parallel_loop3A_119 = tpu.vector_load %arg7[%parallel_loop3A_118] {strides = array<i32>} : memref<528xi32, #tpu.memory_space<vmem>>, vector<16xi32>,
      %parallel_loop3A_120 = vector.extract_strided_slice %parallel_loop3A_119 {offsets = [0], sizes = [1], strides = [1]} : vector<16xi32> to vector<1xi32>
      %parallel_loop3A_121 = vector.extract %parallel_loop3A_120[0] : i32 from vector<1xi32>
      %parallel_loop3A_122 = arith.constant 3 : i32
      %parallel_loop3A_123 = arith.shrsi %parallel_loop3A_121, %parallel_loop3A_122 : i32
      %parallel_loop3A_124 = arith.constant 8 : i32
      %parallel_loop3A_125 = arith.muli %parallel_loop3A_123, %parallel_loop3A_124 : i32
      %parallel_loop3A_126 = tpu.assume_multiple %parallel_loop3A_125, 8 : i32
      %parallel_loop3A_127 = arith.constant 7 : i32
      %parallel_loop3A_128 = arith.shrsi %parallel_loop3A_117, %parallel_loop3A_127 : i32
      %parallel_loop3A_129 = arith.constant 128 : i32
      %parallel_loop3A_130 = arith.muli %parallel_loop3A_128, %parallel_loop3A_129 : i32
      %parallel_loop3A_131 = tpu.assume_multiple %parallel_loop3A_130, 128 : i32
      %parallel_loop3A_132 = arith.constant 3 : i32
      %parallel_loop3A_133 = arith.addi %parallel_loop3A_13, %parallel_loop3A_132 : i32
      %parallel_loop3A_134 = arith.constant 8 : i32
      %parallel_loop3A_135 = arith.muli %parallel_loop3A_133, %parallel_loop3A_134 : i32
      %parallel_loop3A_136 = arith.constant 0 : i32
      %parallel_loop3A_137 = tpu.memref_slice %arg8[%parallel_loop3A_135, %parallel_loop3A_136] : memref<257x128xf32, #tpu.memory_space<vmem>> -> memref<8x128xf32, #tpu.memory_space<vmem>>
      %parallel_loop3A_138 = tpu.memref_slice %arg4[%parallel_loop3A_126, %parallel_loop3A_131] : memref<100x100000xf32, #tpu.memory_space<hbm>> -> memref<8x128xf32, #tpu.memory_space<hbm>>
      %parallel_loop3A_139 = arith.constant 0 : i32
      %parallel_loop3A_140 = tpu.memref_slice %arg8[%parallel_loop3A_135, %parallel_loop3A_139] : memref<257x128xf32, #tpu.memory_space<vmem>> -> memref<8x128xf32, #tpu.memory_space<vmem>>
      %parallel_loop3A_141 = tpu.memref_slice %arg4[%parallel_loop3A_126, %parallel_loop3A_131] : memref<100x100000xf32, #tpu.memory_space<hbm>> -> memref<8x128xf32, #tpu.memory_space<hbm>>
      tpu.enqueue_dma source(%parallel_loop3A_141 : memref<8x128xf32, #tpu.memory_space<hbm>>) target(%parallel_loop3A_140 : memref<8x128xf32, #tpu.memory_space<vmem>>) target_semaphore(%arg12 : memref<!tpu.dma_semaphore, #tpu.memory_space<semaphore_mem>>)
    } {sc.loop_unroll_factor = 1 : i64, sc.parallel_access}
    %scan3A = arith.constant 0 : i32
    %scan3A_5 = arith.constant 0 : i32
    %scan3A_6 = arith.constant 16 : i32
    %scan3A_7 = arith.addi %scan3A_5, %scan3A_6 : i32
    %scan3A_8 = arith.constant 1 : i32
    scf.for %scan3A_13 = %scan3A_5 to %scan3A_7 step %scan3A_8  : i32 {
      %and3A = arith.constant 1 : i32
      %and3A_14 = arith.andi %scan3A_13, %and3A : i32
      %eq3A = arith.constant 0 : i32
      %eq3A_15 = arith.cmpi eq, %and3A_14, %eq3A : i32
      %convert_element_type3A = arith.extui %eq3A_15 : i1 to i32
      %cond3A = arith.constant 0 : i32
      %cond3A_16 = arith.cmpi ne, %convert_element_type3A, %cond3A : i32
      scf.if %cond3A_16 {
        %dma_wait3A = arith.constant 0 : i32
        %dma_wait3A_21 = tpu.memref_slice %arg10[%dma_wait3A] : memref<8192xf32, #tpu.memory_space<vmem>> -> memref<8192xf32, #tpu.memory_space<vmem>>
        %dma_wait3A_22 = arith.constant 0 : i32
        %dma_wait3A_23 = tpu.memref_slice %arg5[%dma_wait3A_22] : memref<16384xf32, #tpu.memory_space<hbm>> -> memref<8192xf32, #tpu.memory_space<hbm>>
        %dma_wait3A_24 = arith.constant 0 : i32
        %dma_wait3A_25 = tpu.memref_slice %arg10[%dma_wait3A_24] : memref<8192xf32, #tpu.memory_space<vmem>> -> memref<8192xf32, #tpu.memory_space<vmem>>
        %dma_wait3A_26 = arith.constant 0 : i32
        %dma_wait3A_27 = tpu.memref_slice %arg5[%dma_wait3A_26] : memref<16384xf32, #tpu.memory_space<hbm>> -> memref<8192xf32, #tpu.memory_space<hbm>>
        tpu.wait_dma2 semaphore(%arg12 : memref<!tpu.dma_semaphore, #tpu.memory_space<semaphore_mem>>) src(%dma_wait3A_27 : memref<8192xf32, #tpu.memory_space<hbm>>) dst(%dma_wait3A_25 : memref<8192xf32, #tpu.memory_space<vmem>>)
        %dma_wait3A_28 = arith.constant 0 : i32
        %dma_wait3A_29 = tpu.memref_slice %arg10[%dma_wait3A_28] : memref<8192xf32, #tpu.memory_space<vmem>> -> memref<8192xf32, #tpu.memory_space<vmem>>
        %dma_wait3A_30 = arith.constant 0 : i32
        %dma_wait3A_31 = tpu.memref_slice %arg5[%dma_wait3A_30] : memref<16384xf32, #tpu.memory_space<hbm>> -> memref<8192xf32, #tpu.memory_space<hbm>>
        %dma_wait3A_32 = arith.constant 0 : i32
        %dma_wait3A_33 = tpu.memref_slice %arg10[%dma_wait3A_32] : memref<8192xf32, #tpu.memory_space<vmem>> -> memref<8192xf32, #tpu.memory_space<vmem>>
        %dma_wait3A_34 = arith.constant 0 : i32
        %dma_wait3A_35 = tpu.memref_slice %arg5[%dma_wait3A_34] : memref<16384xf32, #tpu.memory_space<hbm>> -> memref<8192xf32, #tpu.memory_space<hbm>>
        tpu.wait_dma2 semaphore(%arg12 : memref<!tpu.dma_semaphore, #tpu.memory_space<semaphore_mem>>) src(%dma_wait3A_35 : memref<8192xf32, #tpu.memory_space<hbm>>) dst(%dma_wait3A_33 : memref<8192xf32, #tpu.memory_space<vmem>>)
        %dma_wait3A_36 = arith.constant 0 : i32
        %dma_wait3A_37 = tpu.memref_slice %arg10[%dma_wait3A_36] : memref<8192xf32, #tpu.memory_space<vmem>> -> memref<8192xf32, #tpu.memory_space<vmem>>
        %dma_wait3A_38 = arith.constant 0 : i32
        %dma_wait3A_39 = tpu.memref_slice %arg5[%dma_wait3A_38] : memref<16384xf32, #tpu.memory_space<hbm>> -> memref<8192xf32, #tpu.memory_space<hbm>>
        %dma_wait3A_40 = arith.constant 0 : i32
        %dma_wait3A_41 = tpu.memref_slice %arg10[%dma_wait3A_40] : memref<8192xf32, #tpu.memory_space<vmem>> -> memref<8192xf32, #tpu.memory_space<vmem>>
        %dma_wait3A_42 = arith.constant 0 : i32
        %dma_wait3A_43 = tpu.memref_slice %arg5[%dma_wait3A_42] : memref<16384xf32, #tpu.memory_space<hbm>> -> memref<8192xf32, #tpu.memory_space<hbm>>
        tpu.wait_dma2 semaphore(%arg12 : memref<!tpu.dma_semaphore, #tpu.memory_space<semaphore_mem>>) src(%dma_wait3A_43 : memref<8192xf32, #tpu.memory_space<hbm>>) dst(%dma_wait3A_41 : memref<8192xf32, #tpu.memory_space<vmem>>)
        %dma_wait3A_44 = arith.constant 0 : i32
        %dma_wait3A_45 = tpu.memref_slice %arg10[%dma_wait3A_44] : memref<8192xf32, #tpu.memory_space<vmem>> -> memref<8192xf32, #tpu.memory_space<vmem>>
        %dma_wait3A_46 = arith.constant 0 : i32
        %dma_wait3A_47 = tpu.memref_slice %arg5[%dma_wait3A_46] : memref<16384xf32, #tpu.memory_space<hbm>> -> memref<8192xf32, #tpu.memory_space<hbm>>
        %dma_wait3A_48 = arith.constant 0 : i32
        %dma_wait3A_49 = tpu.memref_slice %arg10[%dma_wait3A_48] : memref<8192xf32, #tpu.memory_space<vmem>> -> memref<8192xf32, #tpu.memory_space<vmem>>
        %dma_wait3A_50 = arith.constant 0 : i32
        %dma_wait3A_51 = tpu.memref_slice %arg5[%dma_wait3A_50] : memref<16384xf32, #tpu.memory_space<hbm>> -> memref<8192xf32, #tpu.memory_space<hbm>>
        tpu.wait_dma2 semaphore(%arg12 : memref<!tpu.dma_semaphore, #tpu.memory_space<semaphore_mem>>) src(%dma_wait3A_51 : memref<8192xf32, #tpu.memory_space<hbm>>) dst(%dma_wait3A_49 : memref<8192xf32, #tpu.memory_space<vmem>>)
        %add3A_52 = arith.constant 1 : i32
        %add3A_53 = arith.addi %scan3A_13, %add3A_52 : i32
        %lt3A = arith.constant 16 : i32
        %lt3A_54 = arith.cmpi slt, %add3A_53, %lt3A : i32
        %convert_element_type3A_55 = arith.extui %lt3A_54 : i1 to i32
        %cond3A_56 = arith.constant 0 : i32
        %cond3A_57 = arith.cmpi ne, %convert_element_type3A_55, %cond3A_56 : i32
        scf.if %cond3A_57 {
          %add3A_61 = arith.constant 1 : i32
          %add3A_62 = arith.addi %scan3A_13, %add3A_61 : i32
          %parallel_loop3A_63 = arith.constant 0 : i32
          %parallel_loop3A_64 = arith.constant 32 : i32
          %parallel_loop3A_65 = arith.constant 4 : i32
          scf.for %parallel_loop3A_66 = %parallel_loop3A_63 to %parallel_loop3A_64 step %parallel_loop3A_65  : i32 {
            %parallel_loop3A_67 = arith.constant 32 : i32
            %parallel_loop3A_68 = arith.muli %add3A_62, %parallel_loop3A_67 : i32
            %parallel_loop3A_69 = arith.addi %parallel_loop3A_68, %parallel_loop3A_66 : i32
            %parallel_loop3A_70 = arith.constant 0 : i32
            %parallel_loop3A_71 = arith.addi %parallel_loop3A_69, %parallel_loop3A_70 : i32
            %parallel_loop3A_72 = arith.index_cast %parallel_loop3A_71 : i32 to index
            %parallel_loop3A_73 = tpu.vector_load %arg6[%parallel_loop3A_72] {strides = array<i32>} : memref<528xi32, #tpu.memory_space<vmem>>, vector<16xi32>,
            %parallel_loop3A_74 = vector.extract_strided_slice %parallel_loop3A_73 {offsets = [0], sizes = [1], strides = [1]} : vector<16xi32> to vector<1xi32>
            %parallel_loop3A_75 = vector.extract %parallel_loop3A_74[0] : i32 from vector<1xi32>
            %parallel_loop3A_76 = arith.index_cast %parallel_loop3A_71 : i32 to index
            %parallel_loop3A_77 = tpu.vector_load %arg7[%parallel_loop3A_76] {strides = array<i32>} : memref<528xi32, #tpu.memory_space<vmem>>, vector<16xi32>,
            %parallel_loop3A_78 = vector.extract_strided_slice %parallel_loop3A_77 {offsets = [0], sizes = [1], strides = [1]} : vector<16xi32> to vector<1xi32>
            %parallel_loop3A_79 = vector.extract %parallel_loop3A_78[0] : i32 from vector<1xi32>
            %parallel_loop3A_80 = arith.constant 3 : i32
            %parallel_loop3A_81 = arith.shrsi %parallel_loop3A_79, %parallel_loop3A_80 : i32
            %parallel_loop3A_82 = arith.constant 8 : i32
            %parallel_loop3A_83 = arith.muli %parallel_loop3A_81, %parallel_loop3A_82 : i32
            %parallel_loop3A_84 = tpu.assume_multiple %parallel_loop3A_83, 8 : i32
            %parallel_loop3A_85 = arith.constant 7 : i32
            %parallel_loop3A_86 = arith.shrsi %parallel_loop3A_75, %parallel_loop3A_85 : i32
            %parallel_loop3A_87 = arith.constant 128 : i32
            %parallel_loop3A_88 = arith.muli %parallel_loop3A_86, %parallel_loop3A_87 : i32
            %parallel_loop3A_89 = tpu.assume_multiple %parallel_loop3A_88, 128 : i32
            %parallel_loop3A_90 = arith.constant 0 : i32
            %parallel_loop3A_91 = arith.addi %parallel_loop3A_66, %parallel_loop3A_90 : i32
            %parallel_loop3A_92 = arith.constant 8 : i32
            %parallel_loop3A_93 = arith.muli %parallel_loop3A_91, %parallel_loop3A_92 : i32
            %parallel_loop3A_94 = arith.constant 0 : i32
            %parallel_loop3A_95 = tpu.memref_slice %arg9[%parallel_loop3A_93, %parallel_loop3A_94] : memref<257x128xf32, #tpu.memory_space<vmem>> -> memref<8x128xf32, #tpu.memory_space<vmem>>
            %parallel_loop3A_96 = tpu.memref_slice %arg4[%parallel_loop3A_84, %parallel_loop3A_89] : memref<100x100000xf32, #tpu.memory_space<hbm>> -> memref<8x128xf32, #tpu.memory_space<hbm>>
            %parallel_loop3A_97 = arith.constant 0 : i32
            %parallel_loop3A_98 = tpu.memref_slice %arg9[%parallel_loop3A_93, %parallel_loop3A_97] : memref<257x128xf32, #tpu.memory_space<vmem>> -> memref<8x128xf32, #tpu.memory_space<vmem>>
            %parallel_loop3A_99 = tpu.memref_slice %arg4[%parallel_loop3A_84, %parallel_loop3A_89] : memref<100x100000xf32, #tpu.memory_space<hbm>> -> memref<8x128xf32, #tpu.memory_space<hbm>>
            tpu.enqueue_dma source(%parallel_loop3A_99 : memref<8x128xf32, #tpu.memory_space<hbm>>) target(%parallel_loop3A_98 : memref<8x128xf32, #tpu.memory_space<vmem>>) target_semaphore(%arg13 : memref<!tpu.dma_semaphore, #tpu.memory_space<semaphore_mem>>)
            %parallel_loop3A_100 = arith.constant 32 : i32
            %parallel_loop3A_101 = arith.muli %add3A_62, %parallel_loop3A_100 : i32
            %parallel_loop3A_102 = arith.addi %parallel_loop3A_101, %parallel_loop3A_66 : i32
            %parallel_loop3A_103 = arith.constant 1 : i32
            %parallel_loop3A_104 = arith.addi %parallel_loop3A_102, %parallel_loop3A_103 : i32
            %parallel_loop3A_105 = arith.index_cast %parallel_loop3A_104 : i32 to index
            %parallel_loop3A_106 = tpu.vector_load %arg6[%parallel_loop3A_105] {strides = array<i32>} : memref<528xi32, #tpu.memory_space<vmem>>, vector<16xi32>,
            %parallel_loop3A_107 = vector.extract_strided_slice %parallel_loop3A_106 {offsets = [0], sizes = [1], strides = [1]} : vector<16xi32> to vector<1xi32>
            %parallel_loop3A_108 = vector.extract %parallel_loop3A_107[0] : i32 from vector<1xi32>
            %parallel_loop3A_109 = arith.index_cast %parallel_loop3A_104 : i32 to index
            %parallel_loop3A_110 = tpu.vector_load %arg7[%parallel_loop3A_109] {strides = array<i32>} : memref<528xi32, #tpu.memory_space<vmem>>, vector<16xi32>,
            %parallel_loop3A_111 = vector.extract_strided_slice %parallel_loop3A_110 {offsets = [0], sizes = [1], strides = [1]} : vector<16xi32> to vector<1xi32>
            %parallel_loop3A_112 = vector.extract %parallel_loop3A_111[0] : i32 from vector<1xi32>
            %parallel_loop3A_113 = arith.constant 3 : i32
            %parallel_loop3A_114 = arith.shrsi %parallel_loop3A_112, %parallel_loop3A_113 : i32
            %parallel_loop3A_115 = arith.constant 8 : i32
            %parallel_loop3A_116 = arith.muli %parallel_loop3A_114, %parallel_loop3A_115 : i32
            %parallel_loop3A_117 = tpu.assume_multiple %parallel_loop3A_116, 8 : i32
            %parallel_loop3A_118 = arith.constant 7 : i32
            %parallel_loop3A_119 = arith.shrsi %parallel_loop3A_108, %parallel_loop3A_118 : i32
            %parallel_loop3A_120 = arith.constant 128 : i32
            %parallel_loop3A_121 = arith.muli %parallel_loop3A_119, %parallel_loop3A_120 : i32
            %parallel_loop3A_122 = tpu.assume_multiple %parallel_loop3A_121, 128 : i32
            %parallel_loop3A_123 = arith.constant 1 : i32
            %parallel_loop3A_124 = arith.addi %parallel_loop3A_66, %parallel_loop3A_123 : i32
            %parallel_loop3A_125 = arith.constant 8 : i32
            %parallel_loop3A_126 = arith.muli %parallel_loop3A_124, %parallel_loop3A_125 : i32
            %parallel_loop3A_127 = arith.constant 0 : i32
            %parallel_loop3A_128 = tpu.memref_slice %arg9[%parallel_loop3A_126, %parallel_loop3A_127] : memref<257x128xf32, #tpu.memory_space<vmem>> -> memref<8x128xf32, #tpu.memory_space<vmem>>
            %parallel_loop3A_129 = tpu.memref_slice %arg4[%parallel_loop3A_117, %parallel_loop3A_122] : memref<100x100000xf32, #tpu.memory_space<hbm>> -> memref<8x128xf32, #tpu.memory_space<hbm>>
            %parallel_loop3A_130 = arith.constant 0 : i32
            %parallel_loop3A_131 = tpu.memref_slice %arg9[%parallel_loop3A_126, %parallel_loop3A_130] : memref<257x128xf32, #tpu.memory_space<vmem>> -> memref<8x128xf32, #tpu.memory_space<vmem>>
            %parallel_loop3A_132 = tpu.memref_slice %arg4[%parallel_loop3A_117, %parallel_loop3A_122] : memref<100x100000xf32, #tpu.memory_space<hbm>> -> memref<8x128xf32, #tpu.memory_space<hbm>>
            tpu.enqueue_dma source(%parallel_loop3A_132 : memref<8x128xf32, #tpu.memory_space<hbm>>) target(%parallel_loop3A_131 : memref<8x128xf32, #tpu.memory_space<vmem>>) target_semaphore(%arg13 : memref<!tpu.dma_semaphore, #tpu.memory_space<semaphore_mem>>)
            %parallel_loop3A_133 = arith.constant 32 : i32
            %parallel_loop3A_134 = arith.muli %add3A_62, %parallel_loop3A_133 : i32
            %parallel_loop3A_135 = arith.addi %parallel_loop3A_134, %parallel_loop3A_66 : i32
            %parallel_loop3A_136 = arith.constant 2 : i32
            %parallel_loop3A_137 = arith.addi %parallel_loop3A_135, %parallel_loop3A_136 : i32
            %parallel_loop3A_138 = arith.index_cast %parallel_loop3A_137 : i32 to index
            %parallel_loop3A_139 = tpu.vector_load %arg6[%parallel_loop3A_138] {strides = array<i32>} : memref<528xi32, #tpu.memory_space<vmem>>, vector<16xi32>,
            %parallel_loop3A_140 = vector.extract_strided_slice %parallel_loop3A_139 {offsets = [0], sizes = [1], strides = [1]} : vector<16xi32> to vector<1xi32>
            %parallel_loop3A_141 = vector.extract %parallel_loop3A_140[0] : i32 from vector<1xi32>
            %parallel_loop3A_142 = arith.index_cast %parallel_loop3A_137 : i32 to index
            %parallel_loop3A_143 = tpu.vector_load %arg7[%parallel_loop3A_142] {strides = array<i32>} : memref<528xi32, #tpu.memory_space<vmem>>, vector<16xi32>,
            %parallel_loop3A_144 = vector.extract_strided_slice %parallel_loop3A_143 {offsets = [0], sizes = [1], strides = [1]} : vector<16xi32> to vector<1xi32>
            %parallel_loop3A_145 = vector.extract %parallel_loop3A_144[0] : i32 from vector<1xi32>
            %parallel_loop3A_146 = arith.constant 3 : i32
            %parallel_loop3A_147 = arith.shrsi %parallel_loop3A_145, %parallel_loop3A_146 : i32
            %parallel_loop3A_148 = arith.constant 8 : i32
            %parallel_loop3A_149 = arith.muli %parallel_loop3A_147, %parallel_loop3A_148 : i32
            %parallel_loop3A_150 = tpu.assume_multiple %parallel_loop3A_149, 8 : i32
            %parallel_loop3A_151 = arith.constant 7 : i32
            %parallel_loop3A_152 = arith.shrsi %parallel_loop3A_141, %parallel_loop3A_151 : i32
            %parallel_loop3A_153 = arith.constant 128 : i32
            %parallel_loop3A_154 = arith.muli %parallel_loop3A_152, %parallel_loop3A_153 : i32
            %parallel_loop3A_155 = tpu.assume_multiple %parallel_loop3A_154, 128 : i32
            %parallel_loop3A_156 = arith.constant 2 : i32
            %parallel_loop3A_157 = arith.addi %parallel_loop3A_66, %parallel_loop3A_156 : i32
            %parallel_loop3A_158 = arith.constant 8 : i32
            %parallel_loop3A_159 = arith.muli %parallel_loop3A_157, %parallel_loop3A_158 : i32
            %parallel_loop3A_160 = arith.constant 0 : i32
            %parallel_loop3A_161 = tpu.memref_slice %arg9[%parallel_loop3A_159, %parallel_loop3A_160] : memref<257x128xf32, #tpu.memory_space<vmem>> -> memref<8x128xf32, #tpu.memory_space<vmem>>
            %parallel_loop3A_162 = tpu.memref_slice %arg4[%parallel_loop3A_150, %parallel_loop3A_155] : memref<100x100000xf32, #tpu.memory_space<hbm>> -> memref<8x128xf32, #tpu.memory_space<hbm>>
            %parallel_loop3A_163 = arith.constant 0 : i32
            %parallel_loop3A_164 = tpu.memref_slice %arg9[%parallel_loop3A_159, %parallel_loop3A_163] : memref<257x128xf32, #tpu.memory_space<vmem>> -> memref<8x128xf32, #tpu.memory_space<vmem>>
            %parallel_loop3A_165 = tpu.memref_slice %arg4[%parallel_loop3A_150, %parallel_loop3A_155] : memref<100x100000xf32, #tpu.memory_space<hbm>> -> memref<8x128xf32, #tpu.memory_space<hbm>>
            tpu.enqueue_dma source(%parallel_loop3A_165 : memref<8x128xf32, #tpu.memory_space<hbm>>) target(%parallel_loop3A_164 : memref<8x128xf32, #tpu.memory_space<vmem>>) target_semaphore(%arg13 : memref<!tpu.dma_semaphore, #tpu.memory_space<semaphore_mem>>)
            %parallel_loop3A_166 = arith.constant 32 : i32
            %parallel_loop3A_167 = arith.muli %add3A_62, %parallel_loop3A_166 : i32
            %parallel_loop3A_168 = arith.addi %parallel_loop3A_167, %parallel_loop3A_66 : i32
            %parallel_loop3A_169 = arith.constant 3 : i32
            %parallel_loop3A_170 = arith.addi %parallel_loop3A_168, %parallel_loop3A_169 : i32
            %parallel_loop3A_171 = arith.index_cast %parallel_loop3A_170 : i32 to index
            %parallel_loop3A_172 = tpu.vector_load %arg6[%parallel_loop3A_171] {strides = array<i32>} : memref<528xi32, #tpu.memory_space<vmem>>, vector<16xi32>,
            %parallel_loop3A_173 = vector.extract_strided_slice %parallel_loop3A_172 {offsets = [0], sizes = [1], strides = [1]} : vector<16xi32> to vector<1xi32>
            %parallel_loop3A_174 = vector.extract %parallel_loop3A_173[0] : i32 from vector<1xi32>
            %parallel_loop3A_175 = arith.index_cast %parallel_loop3A_170 : i32 to index
            %parallel_loop3A_176 = tpu.vector_load %arg7[%parallel_loop3A_175] {strides = array<i32>} : memref<528xi32, #tpu.memory_space<vmem>>, vector<16xi32>,
            %parallel_loop3A_177 = vector.extract_strided_slice %parallel_loop3A_176 {offsets = [0], sizes = [1], strides = [1]} : vector<16xi32> to vector<1xi32>
            %parallel_loop3A_178 = vector.extract %parallel_loop3A_177[0] : i32 from vector<1xi32>
            %parallel_loop3A_179 = arith.constant 3 : i32
            %parallel_loop3A_180 = arith.shrsi %parallel_loop3A_178, %parallel_loop3A_179 : i32
            %parallel_loop3A_181 = arith.constant 8 : i32
            %parallel_loop3A_182 = arith.muli %parallel_loop3A_180, %parallel_loop3A_181 : i32
            %parallel_loop3A_183 = tpu.assume_multiple %parallel_loop3A_182, 8 : i32
            %parallel_loop3A_184 = arith.constant 7 : i32
            %parallel_loop3A_185 = arith.shrsi %parallel_loop3A_174, %parallel_loop3A_184 : i32
            %parallel_loop3A_186 = arith.constant 128 : i32
            %parallel_loop3A_187 = arith.muli %parallel_loop3A_185, %parallel_loop3A_186 : i32
            %parallel_loop3A_188 = tpu.assume_multiple %parallel_loop3A_187, 128 : i32
            %parallel_loop3A_189 = arith.constant 3 : i32
            %parallel_loop3A_190 = arith.addi %parallel_loop3A_66, %parallel_loop3A_189 : i32
            %parallel_loop3A_191 = arith.constant 8 : i32
            %parallel_loop3A_192 = arith.muli %parallel_loop3A_190, %parallel_loop3A_191 : i32
            %parallel_loop3A_193 = arith.constant 0 : i32
            %parallel_loop3A_194 = tpu.memref_slice %arg9[%parallel_loop3A_192, %parallel_loop3A_193] : memref<257x128xf32, #tpu.memory_space<vmem>> -> memref<8x128xf32, #tpu.memory_space<vmem>>
            %parallel_loop3A_195 = tpu.memref_slice %arg4[%parallel_loop3A_183, %parallel_loop3A_188] : memref<100x100000xf32, #tpu.memory_space<hbm>> -> memref<8x128xf32, #tpu.memory_space<hbm>>
            %parallel_loop3A_196 = arith.constant 0 : i32
            %parallel_loop3A_197 = tpu.memref_slice %arg9[%parallel_loop3A_192, %parallel_loop3A_196] : memref<257x128xf32, #tpu.memory_space<vmem>> -> memref<8x128xf32, #tpu.memory_space<vmem>>
            %parallel_loop3A_198 = tpu.memref_slice %arg4[%parallel_loop3A_183, %parallel_loop3A_188] : memref<100x100000xf32, #tpu.memory_space<hbm>> -> memref<8x128xf32, #tpu.memory_space<hbm>>
            tpu.enqueue_dma source(%parallel_loop3A_198 : memref<8x128xf32, #tpu.memory_space<hbm>>) target(%parallel_loop3A_197 : memref<8x128xf32, #tpu.memory_space<vmem>>) target_semaphore(%arg13 : memref<!tpu.dma_semaphore, #tpu.memory_space<semaphore_mem>>)
          } {sc.loop_unroll_factor = 1 : i64, sc.parallel_access}
        } else {
        }
        %parallel_loop3A_58 = arith.constant 0 : i32
        %parallel_loop3A_59 = arith.constant 32 : i32
        %parallel_loop3A_60 = arith.constant 4 : i32
        scf.for %parallel_loop3A_61 = %parallel_loop3A_58 to %parallel_loop3A_59 step %parallel_loop3A_60  : i32 {
          %parallel_loop3A_62 = arith.constant 32 : i32
          %parallel_loop3A_63 = arith.muli %scan3A_13, %parallel_loop3A_62 : i32
          %parallel_loop3A_64 = arith.addi %parallel_loop3A_63, %parallel_loop3A_61 : i32
          %parallel_loop3A_65 = arith.constant 0 : i32
          %parallel_loop3A_66 = arith.addi %parallel_loop3A_64, %parallel_loop3A_65 : i32
          %parallel_loop3A_67 = arith.index_cast %parallel_loop3A_66 : i32 to index
          %parallel_loop3A_68 = tpu.vector_load %arg6[%parallel_loop3A_67] {strides = array<i32>} : memref<528xi32, #tpu.memory_space<vmem>>, vector<16xi32>,
          %parallel_loop3A_69 = vector.extract_strided_slice %parallel_loop3A_68 {offsets = [0], sizes = [1], strides = [1]} : vector<16xi32> to vector<1xi32>
          %parallel_loop3A_70 = vector.extract %parallel_loop3A_69[0] : i32 from vector<1xi32>
          %parallel_loop3A_71 = arith.index_cast %parallel_loop3A_66 : i32 to index
          %parallel_loop3A_72 = tpu.vector_load %arg7[%parallel_loop3A_71] {strides = array<i32>} : memref<528xi32, #tpu.memory_space<vmem>>, vector<16xi32>,
          %parallel_loop3A_73 = vector.extract_strided_slice %parallel_loop3A_72 {offsets = [0], sizes = [1], strides = [1]} : vector<16xi32> to vector<1xi32>
          %parallel_loop3A_74 = vector.extract %parallel_loop3A_73[0] : i32 from vector<1xi32>
          %parallel_loop3A_75 = arith.constant 0 : i32
          %parallel_loop3A_76 = arith.addi %parallel_loop3A_61, %parallel_loop3A_75 : i32
          %parallel_loop3A_77 = arith.constant 8 : i32
          %parallel_loop3A_78 = arith.muli %parallel_loop3A_76, %parallel_loop3A_77 : i32
          %parallel_loop3A_79 = arith.constant 7 : i32
          %parallel_loop3A_80 = arith.andi %parallel_loop3A_74, %parallel_loop3A_79 : i32
          %parallel_loop3A_81 = arith.addi %parallel_loop3A_78, %parallel_loop3A_80 : i32
          %parallel_loop3A_82 = arith.constant 127 : i32
          %parallel_loop3A_83 = arith.andi %parallel_loop3A_70, %parallel_loop3A_82 : i32
          %parallel_loop3A_84 = arith.index_cast %parallel_loop3A_81 : i32 to index
          %parallel_loop3A_85 = arith.index_cast %parallel_loop3A_83 : i32 to index
          %parallel_loop3A_86 = tpu.vector_load %arg8[%parallel_loop3A_84, %parallel_loop3A_85] {strides = array<i32>} : memref<257x128xf32, #tpu.memory_space<vmem>>, vector<16xf32>,
          %parallel_loop3A_87 = arith.constant 16 : i32
          %parallel_loop3A_88 = arith.muli %parallel_loop3A_66, %parallel_loop3A_87 : i32
          %parallel_loop3A_89 = arith.index_cast %parallel_loop3A_88 : i32 to index
          %parallel_loop3A_90 = tpu.vector_load %arg10[%parallel_loop3A_89] {strides = array<i32>} : memref<8192xf32, #tpu.memory_space<vmem>>, vector<16xf32>,
          tpu.vector_store %arg10[%parallel_loop3A_89], %parallel_loop3A_86 {strides = array<i32>} : memref<8192xf32, #tpu.memory_space<vmem>>, vector<16xf32>,
          %parallel_loop3A_91 = arith.constant 32 : i32
          %parallel_loop3A_92 = arith.muli %scan3A_13, %parallel_loop3A_91 : i32
          %parallel_loop3A_93 = arith.addi %parallel_loop3A_92, %parallel_loop3A_61 : i32
          %parallel_loop3A_94 = arith.constant 1 : i32
          %parallel_loop3A_95 = arith.addi %parallel_loop3A_93, %parallel_loop3A_94 : i32
          %parallel_loop3A_96 = arith.index_cast %parallel_loop3A_95 : i32 to index
          %parallel_loop3A_97 = tpu.vector_load %arg6[%parallel_loop3A_96] {strides = array<i32>} : memref<528xi32, #tpu.memory_space<vmem>>, vector<16xi32>,
          %parallel_loop3A_98 = vector.extract_strided_slice %parallel_loop3A_97 {offsets = [0], sizes = [1], strides = [1]} : vector<16xi32> to vector<1xi32>
          %parallel_loop3A_99 = vector.extract %parallel_loop3A_98[0] : i32 from vector<1xi32>
          %parallel_loop3A_100 = arith.index_cast %parallel_loop3A_95 : i32 to index
          %parallel_loop3A_101 = tpu.vector_load %arg7[%parallel_loop3A_100] {strides = array<i32>} : memref<528xi32, #tpu.memory_space<vmem>>, vector<16xi32>,
          %parallel_loop3A_102 = vector.extract_strided_slice %parallel_loop3A_101 {offsets = [0], sizes = [1], strides = [1]} : vector<16xi32> to vector<1xi32>
          %parallel_loop3A_103 = vector.extract %parallel_loop3A_102[0] : i32 from vector<1xi32>
          %parallel_loop3A_104 = arith.constant 1 : i32
          %parallel_loop3A_105 = arith.addi %parallel_loop3A_61, %parallel_loop3A_104 : i32
          %parallel_loop3A_106 = arith.constant 8 : i32
          %parallel_loop3A_107 = arith.muli %parallel_loop3A_105, %parallel_loop3A_106 : i32
          %parallel_loop3A_108 = arith.constant 7 : i32
          %parallel_loop3A_109 = arith.andi %parallel_loop3A_103, %parallel_loop3A_108 : i32
          %parallel_loop3A_110 = arith.addi %parallel_loop3A_107, %parallel_loop3A_109 : i32
          %parallel_loop3A_111 = arith.constant 127 : i32
          %parallel_loop3A_112 = arith.andi %parallel_loop3A_99, %parallel_loop3A_111 : i32
          %parallel_loop3A_113 = arith.index_cast %parallel_loop3A_110 : i32 to index
          %parallel_loop3A_114 = arith.index_cast %parallel_loop3A_112 : i32 to index
          %parallel_loop3A_115 = tpu.vector_load %arg8[%parallel_loop3A_113, %parallel_loop3A_114] {strides = array<i32>} : memref<257x128xf32, #tpu.memory_space<vmem>>, vector<16xf32>,
          %parallel_loop3A_116 = arith.constant 16 : i32
          %parallel_loop3A_117 = arith.muli %parallel_loop3A_95, %parallel_loop3A_116 : i32
          %parallel_loop3A_118 = arith.index_cast %parallel_loop3A_117 : i32 to index
          %parallel_loop3A_119 = tpu.vector_load %arg10[%parallel_loop3A_118] {strides = array<i32>} : memref<8192xf32, #tpu.memory_space<vmem>>, vector<16xf32>,
          tpu.vector_store %arg10[%parallel_loop3A_118], %parallel_loop3A_115 {strides = array<i32>} : memref<8192xf32, #tpu.memory_space<vmem>>, vector<16xf32>,
          %parallel_loop3A_120 = arith.constant 32 : i32
          %parallel_loop3A_121 = arith.muli %scan3A_13, %parallel_loop3A_120 : i32
          %parallel_loop3A_122 = arith.addi %parallel_loop3A_121, %parallel_loop3A_61 : i32
          %parallel_loop3A_123 = arith.constant 2 : i32
          %parallel_loop3A_124 = arith.addi %parallel_loop3A_122, %parallel_loop3A_123 : i32
          %parallel_loop3A_125 = arith.index_cast %parallel_loop3A_124 : i32 to index
          %parallel_loop3A_126 = tpu.vector_load %arg6[%parallel_loop3A_125] {strides = array<i32>} : memref<528xi32, #tpu.memory_space<vmem>>, vector<16xi32>,
          %parallel_loop3A_127 = vector.extract_strided_slice %parallel_loop3A_126 {offsets = [0], sizes = [1], strides = [1]} : vector<16xi32> to vector<1xi32>
          %parallel_loop3A_128 = vector.extract %parallel_loop3A_127[0] : i32 from vector<1xi32>
          %parallel_loop3A_129 = arith.index_cast %parallel_loop3A_124 : i32 to index
          %parallel_loop3A_130 = tpu.vector_load %arg7[%parallel_loop3A_129] {strides = array<i32>} : memref<528xi32, #tpu.memory_space<vmem>>, vector<16xi32>,
          %parallel_loop3A_131 = vector.extract_strided_slice %parallel_loop3A_130 {offsets = [0], sizes = [1], strides = [1]} : vector<16xi32> to vector<1xi32>
          %parallel_loop3A_132 = vector.extract %parallel_loop3A_131[0] : i32 from vector<1xi32>
          %parallel_loop3A_133 = arith.constant 2 : i32
          %parallel_loop3A_134 = arith.addi %parallel_loop3A_61, %parallel_loop3A_133 : i32
          %parallel_loop3A_135 = arith.constant 8 : i32
          %parallel_loop3A_136 = arith.muli %parallel_loop3A_134, %parallel_loop3A_135 : i32
          %parallel_loop3A_137 = arith.constant 7 : i32
          %parallel_loop3A_138 = arith.andi %parallel_loop3A_132, %parallel_loop3A_137 : i32
          %parallel_loop3A_139 = arith.addi %parallel_loop3A_136, %parallel_loop3A_138 : i32
          %parallel_loop3A_140 = arith.constant 127 : i32
          %parallel_loop3A_141 = arith.andi %parallel_loop3A_128, %parallel_loop3A_140 : i32
          %parallel_loop3A_142 = arith.index_cast %parallel_loop3A_139 : i32 to index
          %parallel_loop3A_143 = arith.index_cast %parallel_loop3A_141 : i32 to index
          %parallel_loop3A_144 = tpu.vector_load %arg8[%parallel_loop3A_142, %parallel_loop3A_143] {strides = array<i32>} : memref<257x128xf32, #tpu.memory_space<vmem>>, vector<16xf32>,
          %parallel_loop3A_145 = arith.constant 16 : i32
          %parallel_loop3A_146 = arith.muli %parallel_loop3A_124, %parallel_loop3A_145 : i32
          %parallel_loop3A_147 = arith.index_cast %parallel_loop3A_146 : i32 to index
          %parallel_loop3A_148 = tpu.vector_load %arg10[%parallel_loop3A_147] {strides = array<i32>} : memref<8192xf32, #tpu.memory_space<vmem>>, vector<16xf32>,
          tpu.vector_store %arg10[%parallel_loop3A_147], %parallel_loop3A_144 {strides = array<i32>} : memref<8192xf32, #tpu.memory_space<vmem>>, vector<16xf32>,
          %parallel_loop3A_149 = arith.constant 32 : i32
          %parallel_loop3A_150 = arith.muli %scan3A_13, %parallel_loop3A_149 : i32
          %parallel_loop3A_151 = arith.addi %parallel_loop3A_150, %parallel_loop3A_61 : i32
          %parallel_loop3A_152 = arith.constant 3 : i32
          %parallel_loop3A_153 = arith.addi %parallel_loop3A_151, %parallel_loop3A_152 : i32
          %parallel_loop3A_154 = arith.index_cast %parallel_loop3A_153 : i32 to index
          %parallel_loop3A_155 = tpu.vector_load %arg6[%parallel_loop3A_154] {strides = array<i32>} : memref<528xi32, #tpu.memory_space<vmem>>, vector<16xi32>,
          %parallel_loop3A_156 = vector.extract_strided_slice %parallel_loop3A_155 {offsets = [0], sizes = [1], strides = [1]} : vector<16xi32> to vector<1xi32>
          %parallel_loop3A_157 = vector.extract %parallel_loop3A_156[0] : i32 from vector<1xi32>
          %parallel_loop3A_158 = arith.index_cast %parallel_loop3A_153 : i32 to index
          %parallel_loop3A_159 = tpu.vector_load %arg7[%parallel_loop3A_158] {strides = array<i32>} : memref<528xi32, #tpu.memory_space<vmem>>, vector<16xi32>,
          %parallel_loop3A_160 = vector.extract_strided_slice %parallel_loop3A_159 {offsets = [0], sizes = [1], strides = [1]} : vector<16xi32> to vector<1xi32>
          %parallel_loop3A_161 = vector.extract %parallel_loop3A_160[0] : i32 from vector<1xi32>
          %parallel_loop3A_162 = arith.constant 3 : i32
          %parallel_loop3A_163 = arith.addi %parallel_loop3A_61, %parallel_loop3A_162 : i32
          %parallel_loop3A_164 = arith.constant 8 : i32
          %parallel_loop3A_165 = arith.muli %parallel_loop3A_163, %parallel_loop3A_164 : i32
          %parallel_loop3A_166 = arith.constant 7 : i32
          %parallel_loop3A_167 = arith.andi %parallel_loop3A_161, %parallel_loop3A_166 : i32
          %parallel_loop3A_168 = arith.addi %parallel_loop3A_165, %parallel_loop3A_167 : i32
          %parallel_loop3A_169 = arith.constant 127 : i32
          %parallel_loop3A_170 = arith.andi %parallel_loop3A_157, %parallel_loop3A_169 : i32
          %parallel_loop3A_171 = arith.index_cast %parallel_loop3A_168 : i32 to index
          %parallel_loop3A_172 = arith.index_cast %parallel_loop3A_170 : i32 to index
          %parallel_loop3A_173 = tpu.vector_load %arg8[%parallel_loop3A_171, %parallel_loop3A_172] {strides = array<i32>} : memref<257x128xf32, #tpu.memory_space<vmem>>, vector<16xf32>,
          %parallel_loop3A_174 = arith.constant 16 : i32
          %parallel_loop3A_175 = arith.muli %parallel_loop3A_153, %parallel_loop3A_174 : i32
          %parallel_loop3A_176 = arith.index_cast %parallel_loop3A_175 : i32 to index
          %parallel_loop3A_177 = tpu.vector_load %arg10[%parallel_loop3A_176] {strides = array<i32>} : memref<8192xf32, #tpu.memory_space<vmem>>, vector<16xf32>,
          tpu.vector_store %arg10[%parallel_loop3A_176], %parallel_loop3A_173 {strides = array<i32>} : memref<8192xf32, #tpu.memory_space<vmem>>, vector<16xf32>,
        } {sc.loop_unroll_factor = 1 : i64, sc.parallel_access}
      } else {
      }
      %not3A = arith.constant true
      %not3A_17 = arith.xori %eq3A_15, %not3A : i1
      %convert_element_type3A_18 = arith.extui %not3A_17 : i1 to i32
      %cond3A_19 = arith.constant 0 : i32
      %cond3A_20 = arith.cmpi ne, %convert_element_type3A_18, %cond3A_19 : i32
      scf.if %cond3A_20 {
        %dma_wait3A = arith.constant 0 : i32
        %dma_wait3A_21 = tpu.memref_slice %arg10[%dma_wait3A] : memref<8192xf32, #tpu.memory_space<vmem>> -> memref<8192xf32, #tpu.memory_space<vmem>>
        %dma_wait3A_22 = arith.constant 0 : i32
        %dma_wait3A_23 = tpu.memref_slice %arg5[%dma_wait3A_22] : memref<16384xf32, #tpu.memory_space<hbm>> -> memref<8192xf32, #tpu.memory_space<hbm>>
        %dma_wait3A_24 = arith.constant 0 : i32
        %dma_wait3A_25 = tpu.memref_slice %arg10[%dma_wait3A_24] : memref<8192xf32, #tpu.memory_space<vmem>> -> memref<8192xf32, #tpu.memory_space<vmem>>
        %dma_wait3A_26 = arith.constant 0 : i32
        %dma_wait3A_27 = tpu.memref_slice %arg5[%dma_wait3A_26] : memref<16384xf32, #tpu.memory_space<hbm>> -> memref<8192xf32, #tpu.memory_space<hbm>>
        tpu.wait_dma2 semaphore(%arg13 : memref<!tpu.dma_semaphore, #tpu.memory_space<semaphore_mem>>) src(%dma_wait3A_27 : memref<8192xf32, #tpu.memory_space<hbm>>) dst(%dma_wait3A_25 : memref<8192xf32, #tpu.memory_space<vmem>>)
        %dma_wait3A_28 = arith.constant 0 : i32
        %dma_wait3A_29 = tpu.memref_slice %arg10[%dma_wait3A_28] : memref<8192xf32, #tpu.memory_space<vmem>> -> memref<8192xf32, #tpu.memory_space<vmem>>
        %dma_wait3A_30 = arith.constant 0 : i32
        %dma_wait3A_31 = tpu.memref_slice %arg5[%dma_wait3A_30] : memref<16384xf32, #tpu.memory_space<hbm>> -> memref<8192xf32, #tpu.memory_space<hbm>>
        %dma_wait3A_32 = arith.constant 0 : i32
        %dma_wait3A_33 = tpu.memref_slice %arg10[%dma_wait3A_32] : memref<8192xf32, #tpu.memory_space<vmem>> -> memref<8192xf32, #tpu.memory_space<vmem>>
        %dma_wait3A_34 = arith.constant 0 : i32
        %dma_wait3A_35 = tpu.memref_slice %arg5[%dma_wait3A_34] : memref<16384xf32, #tpu.memory_space<hbm>> -> memref<8192xf32, #tpu.memory_space<hbm>>
        tpu.wait_dma2 semaphore(%arg13 : memref<!tpu.dma_semaphore, #tpu.memory_space<semaphore_mem>>) src(%dma_wait3A_35 : memref<8192xf32, #tpu.memory_space<hbm>>) dst(%dma_wait3A_33 : memref<8192xf32, #tpu.memory_space<vmem>>)
        %dma_wait3A_36 = arith.constant 0 : i32
        %dma_wait3A_37 = tpu.memref_slice %arg10[%dma_wait3A_36] : memref<8192xf32, #tpu.memory_space<vmem>> -> memref<8192xf32, #tpu.memory_space<vmem>>
        %dma_wait3A_38 = arith.constant 0 : i32
        %dma_wait3A_39 = tpu.memref_slice %arg5[%dma_wait3A_38] : memref<16384xf32, #tpu.memory_space<hbm>> -> memref<8192xf32, #tpu.memory_space<hbm>>
        %dma_wait3A_40 = arith.constant 0 : i32
        %dma_wait3A_41 = tpu.memref_slice %arg10[%dma_wait3A_40] : memref<8192xf32, #tpu.memory_space<vmem>> -> memref<8192xf32, #tpu.memory_space<vmem>>
        %dma_wait3A_42 = arith.constant 0 : i32
        %dma_wait3A_43 = tpu.memref_slice %arg5[%dma_wait3A_42] : memref<16384xf32, #tpu.memory_space<hbm>> -> memref<8192xf32, #tpu.memory_space<hbm>>
        tpu.wait_dma2 semaphore(%arg13 : memref<!tpu.dma_semaphore, #tpu.memory_space<semaphore_mem>>) src(%dma_wait3A_43 : memref<8192xf32, #tpu.memory_space<hbm>>) dst(%dma_wait3A_41 : memref<8192xf32, #tpu.memory_space<vmem>>)
        %dma_wait3A_44 = arith.constant 0 : i32
        %dma_wait3A_45 = tpu.memref_slice %arg10[%dma_wait3A_44] : memref<8192xf32, #tpu.memory_space<vmem>> -> memref<8192xf32, #tpu.memory_space<vmem>>
        %dma_wait3A_46 = arith.constant 0 : i32
        %dma_wait3A_47 = tpu.memref_slice %arg5[%dma_wait3A_46] : memref<16384xf32, #tpu.memory_space<hbm>> -> memref<8192xf32, #tpu.memory_space<hbm>>
        %dma_wait3A_48 = arith.constant 0 : i32
        %dma_wait3A_49 = tpu.memref_slice %arg10[%dma_wait3A_48] : memref<8192xf32, #tpu.memory_space<vmem>> -> memref<8192xf32, #tpu.memory_space<vmem>>
        %dma_wait3A_50 = arith.constant 0 : i32
        %dma_wait3A_51 = tpu.memref_slice %arg5[%dma_wait3A_50] : memref<16384xf32, #tpu.memory_space<hbm>> -> memref<8192xf32, #tpu.memory_space<hbm>>
        tpu.wait_dma2 semaphore(%arg13 : memref<!tpu.dma_semaphore, #tpu.memory_space<semaphore_mem>>) src(%dma_wait3A_51 : memref<8192xf32, #tpu.memory_space<hbm>>) dst(%dma_wait3A_49 : memref<8192xf32, #tpu.memory_space<vmem>>)
        %add3A_52 = arith.constant 1 : i32
        %add3A_53 = arith.addi %scan3A_13, %add3A_52 : i32
        %lt3A = arith.constant 16 : i32
        %lt3A_54 = arith.cmpi slt, %add3A_53, %lt3A : i32
        %convert_element_type3A_55 = arith.extui %lt3A_54 : i1 to i32
        %cond3A_56 = arith.constant 0 : i32
        %cond3A_57 = arith.cmpi ne, %convert_element_type3A_55, %cond3A_56 : i32
        scf.if %cond3A_57 {
          %add3A_61 = arith.constant 1 : i32
          %add3A_62 = arith.addi %scan3A_13, %add3A_61 : i32
          %parallel_loop3A_63 = arith.constant 0 : i32
          %parallel_loop3A_64 = arith.constant 32 : i32
          %parallel_loop3A_65 = arith.constant 4 : i32
          scf.for %parallel_loop3A_66 = %parallel_loop3A_63 to %parallel_loop3A_64 step %parallel_loop3A_65  : i32 {
            %parallel_loop3A_67 = arith.constant 32 : i32
            %parallel_loop3A_68 = arith.muli %add3A_62, %parallel_loop3A_67 : i32
            %parallel_loop3A_69 = arith.addi %parallel_loop3A_68, %parallel_loop3A_66 : i32
            %parallel_loop3A_70 = arith.constant 0 : i32
            %parallel_loop3A_71 = arith.addi %parallel_loop3A_69, %parallel_loop3A_70 : i32
            %parallel_loop3A_72 = arith.index_cast %parallel_loop3A_71 : i32 to index
            %parallel_loop3A_73 = tpu.vector_load %arg6[%parallel_loop3A_72] {strides = array<i32>} : memref<528xi32, #tpu.memory_space<vmem>>, vector<16xi32>,
            %parallel_loop3A_74 = vector.extract_strided_slice %parallel_loop3A_73 {offsets = [0], sizes = [1], strides = [1]} : vector<16xi32> to vector<1xi32>
            %parallel_loop3A_75 = vector.extract %parallel_loop3A_74[0] : i32 from vector<1xi32>
            %parallel_loop3A_76 = arith.index_cast %parallel_loop3A_71 : i32 to index
            %parallel_loop3A_77 = tpu.vector_load %arg7[%parallel_loop3A_76] {strides = array<i32>} : memref<528xi32, #tpu.memory_space<vmem>>, vector<16xi32>,
            %parallel_loop3A_78 = vector.extract_strided_slice %parallel_loop3A_77 {offsets = [0], sizes = [1], strides = [1]} : vector<16xi32> to vector<1xi32>
            %parallel_loop3A_79 = vector.extract %parallel_loop3A_78[0] : i32 from vector<1xi32>
            %parallel_loop3A_80 = arith.constant 3 : i32
            %parallel_loop3A_81 = arith.shrsi %parallel_loop3A_79, %parallel_loop3A_80 : i32
            %parallel_loop3A_82 = arith.constant 8 : i32
            %parallel_loop3A_83 = arith.muli %parallel_loop3A_81, %parallel_loop3A_82 : i32
            %parallel_loop3A_84 = tpu.assume_multiple %parallel_loop3A_83, 8 : i32
            %parallel_loop3A_85 = arith.constant 7 : i32
            %parallel_loop3A_86 = arith.shrsi %parallel_loop3A_75, %parallel_loop3A_85 : i32
            %parallel_loop3A_87 = arith.constant 128 : i32
            %parallel_loop3A_88 = arith.muli %parallel_loop3A_86, %parallel_loop3A_87 : i32
            %parallel_loop3A_89 = tpu.assume_multiple %parallel_loop3A_88, 128 : i32
            %parallel_loop3A_90 = arith.constant 0 : i32
            %parallel_loop3A_91 = arith.addi %parallel_loop3A_66, %parallel_loop3A_90 : i32
            %parallel_loop3A_92 = arith.constant 8 : i32
            %parallel_loop3A_93 = arith.muli %parallel_loop3A_91, %parallel_loop3A_92 : i32
            %parallel_loop3A_94 = arith.constant 0 : i32
            %parallel_loop3A_95 = tpu.memref_slice %arg8[%parallel_loop3A_93, %parallel_loop3A_94] : memref<257x128xf32, #tpu.memory_space<vmem>> -> memref<8x128xf32, #tpu.memory_space<vmem>>
            %parallel_loop3A_96 = tpu.memref_slice %arg4[%parallel_loop3A_84, %parallel_loop3A_89] : memref<100x100000xf32, #tpu.memory_space<hbm>> -> memref<8x128xf32, #tpu.memory_space<hbm>>
            %parallel_loop3A_97 = arith.constant 0 : i32
            %parallel_loop3A_98 = tpu.memref_slice %arg8[%parallel_loop3A_93, %parallel_loop3A_97] : memref<257x128xf32, #tpu.memory_space<vmem>> -> memref<8x128xf32, #tpu.memory_space<vmem>>
            %parallel_loop3A_99 = tpu.memref_slice %arg4[%parallel_loop3A_84, %parallel_loop3A_89] : memref<100x100000xf32, #tpu.memory_space<hbm>> -> memref<8x128xf32, #tpu.memory_space<hbm>>
            tpu.enqueue_dma source(%parallel_loop3A_99 : memref<8x128xf32, #tpu.memory_space<hbm>>) target(%parallel_loop3A_98 : memref<8x128xf32, #tpu.memory_space<vmem>>) target_semaphore(%arg12 : memref<!tpu.dma_semaphore, #tpu.memory_space<semaphore_mem>>)
            %parallel_loop3A_100 = arith.constant 32 : i32
            %parallel_loop3A_101 = arith.muli %add3A_62, %parallel_loop3A_100 : i32
            %parallel_loop3A_102 = arith.addi %parallel_loop3A_101, %parallel_loop3A_66 : i32
            %parallel_loop3A_103 = arith.constant 1 : i32
            %parallel_loop3A_104 = arith.addi %parallel_loop3A_102, %parallel_loop3A_103 : i32
            %parallel_loop3A_105 = arith.index_cast %parallel_loop3A_104 : i32 to index
            %parallel_loop3A_106 = tpu.vector_load %arg6[%parallel_loop3A_105] {strides = array<i32>} : memref<528xi32, #tpu.memory_space<vmem>>, vector<16xi32>,
            %parallel_loop3A_107 = vector.extract_strided_slice %parallel_loop3A_106 {offsets = [0], sizes = [1], strides = [1]} : vector<16xi32> to vector<1xi32>
            %parallel_loop3A_108 = vector.extract %parallel_loop3A_107[0] : i32 from vector<1xi32>
            %parallel_loop3A_109 = arith.index_cast %parallel_loop3A_104 : i32 to index
            %parallel_loop3A_110 = tpu.vector_load %arg7[%parallel_loop3A_109] {strides = array<i32>} : memref<528xi32, #tpu.memory_space<vmem>>, vector<16xi32>,
            %parallel_loop3A_111 = vector.extract_strided_slice %parallel_loop3A_110 {offsets = [0], sizes = [1], strides = [1]} : vector<16xi32> to vector<1xi32>
            %parallel_loop3A_112 = vector.extract %parallel_loop3A_111[0] : i32 from vector<1xi32>
            %parallel_loop3A_113 = arith.constant 3 : i32
            %parallel_loop3A_114 = arith.shrsi %parallel_loop3A_112, %parallel_loop3A_113 : i32
            %parallel_loop3A_115 = arith.constant 8 : i32
            %parallel_loop3A_116 = arith.muli %parallel_loop3A_114, %parallel_loop3A_115 : i32
            %parallel_loop3A_117 = tpu.assume_multiple %parallel_loop3A_116, 8 : i32
            %parallel_loop3A_118 = arith.constant 7 : i32
            %parallel_loop3A_119 = arith.shrsi %parallel_loop3A_108, %parallel_loop3A_118 : i32
            %parallel_loop3A_120 = arith.constant 128 : i32
            %parallel_loop3A_121 = arith.muli %parallel_loop3A_119, %parallel_loop3A_120 : i32
            %parallel_loop3A_122 = tpu.assume_multiple %parallel_loop3A_121, 128 : i32
            %parallel_loop3A_123 = arith.constant 1 : i32
            %parallel_loop3A_124 = arith.addi %parallel_loop3A_66, %parallel_loop3A_123 : i32
            %parallel_loop3A_125 = arith.constant 8 : i32
            %parallel_loop3A_126 = arith.muli %parallel_loop3A_124, %parallel_loop3A_125 : i32
            %parallel_loop3A_127 = arith.constant 0 : i32
            %parallel_loop3A_128 = tpu.memref_slice %arg8[%parallel_loop3A_126, %parallel_loop3A_127] : memref<257x128xf32, #tpu.memory_space<vmem>> -> memref<8x128xf32, #tpu.memory_space<vmem>>
            %parallel_loop3A_129 = tpu.memref_slice %arg4[%parallel_loop3A_117, %parallel_loop3A_122] : memref<100x100000xf32, #tpu.memory_space<hbm>> -> memref<8x128xf32, #tpu.memory_space<hbm>>
            %parallel_loop3A_130 = arith.constant 0 : i32
            %parallel_loop3A_131 = tpu.memref_slice %arg8[%parallel_loop3A_126, %parallel_loop3A_130] : memref<257x128xf32, #tpu.memory_space<vmem>> -> memref<8x128xf32, #tpu.memory_space<vmem>>
            %parallel_loop3A_132 = tpu.memref_slice %arg4[%parallel_loop3A_117, %parallel_loop3A_122] : memref<100x100000xf32, #tpu.memory_space<hbm>> -> memref<8x128xf32, #tpu.memory_space<hbm>>
            tpu.enqueue_dma source(%parallel_loop3A_132 : memref<8x128xf32, #tpu.memory_space<hbm>>) target(%parallel_loop3A_131 : memref<8x128xf32, #tpu.memory_space<vmem>>) target_semaphore(%arg12 : memref<!tpu.dma_semaphore, #tpu.memory_space<semaphore_mem>>)
            %parallel_loop3A_133 = arith.constant 32 : i32
            %parallel_loop3A_134 = arith.muli %add3A_62, %parallel_loop3A_133 : i32
            %parallel_loop3A_135 = arith.addi %parallel_loop3A_134, %parallel_loop3A_66 : i32
            %parallel_loop3A_136 = arith.constant 2 : i32
            %parallel_loop3A_137 = arith.addi %parallel_loop3A_135, %parallel_loop3A_136 : i32
            %parallel_loop3A_138 = arith.index_cast %parallel_loop3A_137 : i32 to index
            %parallel_loop3A_139 = tpu.vector_load %arg6[%parallel_loop3A_138] {strides = array<i32>} : memref<528xi32, #tpu.memory_space<vmem>>, vector<16xi32>,
            %parallel_loop3A_140 = vector.extract_strided_slice %parallel_loop3A_139 {offsets = [0], sizes = [1], strides = [1]} : vector<16xi32> to vector<1xi32>
            %parallel_loop3A_141 = vector.extract %parallel_loop3A_140[0] : i32 from vector<1xi32>
            %parallel_loop3A_142 = arith.index_cast %parallel_loop3A_137 : i32 to index
            %parallel_loop3A_143 = tpu.vector_load %arg7[%parallel_loop3A_142] {strides = array<i32>} : memref<528xi32, #tpu.memory_space<vmem>>, vector<16xi32>,
            %parallel_loop3A_144 = vector.extract_strided_slice %parallel_loop3A_143 {offsets = [0], sizes = [1], strides = [1]} : vector<16xi32> to vector<1xi32>
            %parallel_loop3A_145 = vector.extract %parallel_loop3A_144[0] : i32 from vector<1xi32>
            %parallel_loop3A_146 = arith.constant 3 : i32
            %parallel_loop3A_147 = arith.shrsi %parallel_loop3A_145, %parallel_loop3A_146 : i32
            %parallel_loop3A_148 = arith.constant 8 : i32
            %parallel_loop3A_149 = arith.muli %parallel_loop3A_147, %parallel_loop3A_148 : i32
            %parallel_loop3A_150 = tpu.assume_multiple %parallel_loop3A_149, 8 : i32
            %parallel_loop3A_151 = arith.constant 7 : i32
            %parallel_loop3A_152 = arith.shrsi %parallel_loop3A_141, %parallel_loop3A_151 : i32
            %parallel_loop3A_153 = arith.constant 128 : i32
            %parallel_loop3A_154 = arith.muli %parallel_loop3A_152, %parallel_loop3A_153 : i32
            %parallel_loop3A_155 = tpu.assume_multiple %parallel_loop3A_154, 128 : i32
            %parallel_loop3A_156 = arith.constant 2 : i32
            %parallel_loop3A_157 = arith.addi %parallel_loop3A_66, %parallel_loop3A_156 : i32
            %parallel_loop3A_158 = arith.constant 8 : i32
            %parallel_loop3A_159 = arith.muli %parallel_loop3A_157, %parallel_loop3A_158 : i32
            %parallel_loop3A_160 = arith.constant 0 : i32
            %parallel_loop3A_161 = tpu.memref_slice %arg8[%parallel_loop3A_159, %parallel_loop3A_160] : memref<257x128xf32, #tpu.memory_space<vmem>> -> memref<8x128xf32, #tpu.memory_space<vmem>>
            %parallel_loop3A_162 = tpu.memref_slice %arg4[%parallel_loop3A_150, %parallel_loop3A_155] : memref<100x100000xf32, #tpu.memory_space<hbm>> -> memref<8x128xf32, #tpu.memory_space<hbm>>
            %parallel_loop3A_163 = arith.constant 0 : i32
            %parallel_loop3A_164 = tpu.memref_slice %arg8[%parallel_loop3A_159, %parallel_loop3A_163] : memref<257x128xf32, #tpu.memory_space<vmem>> -> memref<8x128xf32, #tpu.memory_space<vmem>>
            %parallel_loop3A_165 = tpu.memref_slice %arg4[%parallel_loop3A_150, %parallel_loop3A_155] : memref<100x100000xf32, #tpu.memory_space<hbm>> -> memref<8x128xf32, #tpu.memory_space<hbm>>
            tpu.enqueue_dma source(%parallel_loop3A_165 : memref<8x128xf32, #tpu.memory_space<hbm>>) target(%parallel_loop3A_164 : memref<8x128xf32, #tpu.memory_space<vmem>>) target_semaphore(%arg12 : memref<!tpu.dma_semaphore, #tpu.memory_space<semaphore_mem>>)
            %parallel_loop3A_166 = arith.constant 32 : i32
            %parallel_loop3A_167 = arith.muli %add3A_62, %parallel_loop3A_166 : i32
            %parallel_loop3A_168 = arith.addi %parallel_loop3A_167, %parallel_loop3A_66 : i32
            %parallel_loop3A_169 = arith.constant 3 : i32
            %parallel_loop3A_170 = arith.addi %parallel_loop3A_168, %parallel_loop3A_169 : i32
            %parallel_loop3A_171 = arith.index_cast %parallel_loop3A_170 : i32 to index
            %parallel_loop3A_172 = tpu.vector_load %arg6[%parallel_loop3A_171] {strides = array<i32>} : memref<528xi32, #tpu.memory_space<vmem>>, vector<16xi32>,
            %parallel_loop3A_173 = vector.extract_strided_slice %parallel_loop3A_172 {offsets = [0], sizes = [1], strides = [1]} : vector<16xi32> to vector<1xi32>
            %parallel_loop3A_174 = vector.extract %parallel_loop3A_173[0] : i32 from vector<1xi32>
            %parallel_loop3A_175 = arith.index_cast %parallel_loop3A_170 : i32 to index
            %parallel_loop3A_176 = tpu.vector_load %arg7[%parallel_loop3A_175] {strides = array<i32>} : memref<528xi32, #tpu.memory_space<vmem>>, vector<16xi32>,
            %parallel_loop3A_177 = vector.extract_strided_slice %parallel_loop3A_176 {offsets = [0], sizes = [1], strides = [1]} : vector<16xi32> to vector<1xi32>
            %parallel_loop3A_178 = vector.extract %parallel_loop3A_177[0] : i32 from vector<1xi32>
            %parallel_loop3A_179 = arith.constant 3 : i32
            %parallel_loop3A_180 = arith.shrsi %parallel_loop3A_178, %parallel_loop3A_179 : i32
            %parallel_loop3A_181 = arith.constant 8 : i32
            %parallel_loop3A_182 = arith.muli %parallel_loop3A_180, %parallel_loop3A_181 : i32
            %parallel_loop3A_183 = tpu.assume_multiple %parallel_loop3A_182, 8 : i32
            %parallel_loop3A_184 = arith.constant 7 : i32
            %parallel_loop3A_185 = arith.shrsi %parallel_loop3A_174, %parallel_loop3A_184 : i32
            %parallel_loop3A_186 = arith.constant 128 : i32
            %parallel_loop3A_187 = arith.muli %parallel_loop3A_185, %parallel_loop3A_186 : i32
            %parallel_loop3A_188 = tpu.assume_multiple %parallel_loop3A_187, 128 : i32
            %parallel_loop3A_189 = arith.constant 3 : i32
            %parallel_loop3A_190 = arith.addi %parallel_loop3A_66, %parallel_loop3A_189 : i32
            %parallel_loop3A_191 = arith.constant 8 : i32
            %parallel_loop3A_192 = arith.muli %parallel_loop3A_190, %parallel_loop3A_191 : i32
            %parallel_loop3A_193 = arith.constant 0 : i32
            %parallel_loop3A_194 = tpu.memref_slice %arg8[%parallel_loop3A_192, %parallel_loop3A_193] : memref<257x128xf32, #tpu.memory_space<vmem>> -> memref<8x128xf32, #tpu.memory_space<vmem>>
            %parallel_loop3A_195 = tpu.memref_slice %arg4[%parallel_loop3A_183, %parallel_loop3A_188] : memref<100x100000xf32, #tpu.memory_space<hbm>> -> memref<8x128xf32, #tpu.memory_space<hbm>>
            %parallel_loop3A_196 = arith.constant 0 : i32
            %parallel_loop3A_197 = tpu.memref_slice %arg8[%parallel_loop3A_192, %parallel_loop3A_196] : memref<257x128xf32, #tpu.memory_space<vmem>> -> memref<8x128xf32, #tpu.memory_space<vmem>>
            %parallel_loop3A_198 = tpu.memref_slice %arg4[%parallel_loop3A_183, %parallel_loop3A_188] : memref<100x100000xf32, #tpu.memory_space<hbm>> -> memref<8x128xf32, #tpu.memory_space<hbm>>
            tpu.enqueue_dma source(%parallel_loop3A_198 : memref<8x128xf32, #tpu.memory_space<hbm>>) target(%parallel_loop3A_197 : memref<8x128xf32, #tpu.memory_space<vmem>>) target_semaphore(%arg12 : memref<!tpu.dma_semaphore, #tpu.memory_space<semaphore_mem>>)
          } {sc.loop_unroll_factor = 1 : i64, sc.parallel_access}
        } else {
        }
        %parallel_loop3A_58 = arith.constant 0 : i32
        %parallel_loop3A_59 = arith.constant 32 : i32
        %parallel_loop3A_60 = arith.constant 4 : i32
        scf.for %parallel_loop3A_61 = %parallel_loop3A_58 to %parallel_loop3A_59 step %parallel_loop3A_60  : i32 {
          %parallel_loop3A_62 = arith.constant 32 : i32
          %parallel_loop3A_63 = arith.muli %scan3A_13, %parallel_loop3A_62 : i32
          %parallel_loop3A_64 = arith.addi %parallel_loop3A_63, %parallel_loop3A_61 : i32
          %parallel_loop3A_65 = arith.constant 0 : i32
          %parallel_loop3A_66 = arith.addi %parallel_loop3A_64, %parallel_loop3A_65 : i32
          %parallel_loop3A_67 = arith.index_cast %parallel_loop3A_66 : i32 to index
          %parallel_loop3A_68 = tpu.vector_load %arg6[%parallel_loop3A_67] {strides = array<i32>} : memref<528xi32, #tpu.memory_space<vmem>>, vector<16xi32>,
          %parallel_loop3A_69 = vector.extract_strided_slice %parallel_loop3A_68 {offsets = [0], sizes = [1], strides = [1]} : vector<16xi32> to vector<1xi32>
          %parallel_loop3A_70 = vector.extract %parallel_loop3A_69[0] : i32 from vector<1xi32>
          %parallel_loop3A_71 = arith.index_cast %parallel_loop3A_66 : i32 to index
          %parallel_loop3A_72 = tpu.vector_load %arg7[%parallel_loop3A_71] {strides = array<i32>} : memref<528xi32, #tpu.memory_space<vmem>>, vector<16xi32>,
          %parallel_loop3A_73 = vector.extract_strided_slice %parallel_loop3A_72 {offsets = [0], sizes = [1], strides = [1]} : vector<16xi32> to vector<1xi32>
          %parallel_loop3A_74 = vector.extract %parallel_loop3A_73[0] : i32 from vector<1xi32>
          %parallel_loop3A_75 = arith.constant 0 : i32
          %parallel_loop3A_76 = arith.addi %parallel_loop3A_61, %parallel_loop3A_75 : i32
          %parallel_loop3A_77 = arith.constant 8 : i32
          %parallel_loop3A_78 = arith.muli %parallel_loop3A_76, %parallel_loop3A_77 : i32
          %parallel_loop3A_79 = arith.constant 7 : i32
          %parallel_loop3A_80 = arith.andi %parallel_loop3A_74, %parallel_loop3A_79 : i32
          %parallel_loop3A_81 = arith.addi %parallel_loop3A_78, %parallel_loop3A_80 : i32
          %parallel_loop3A_82 = arith.constant 127 : i32
          %parallel_loop3A_83 = arith.andi %parallel_loop3A_70, %parallel_loop3A_82 : i32
          %parallel_loop3A_84 = arith.index_cast %parallel_loop3A_81 : i32 to index
          %parallel_loop3A_85 = arith.index_cast %parallel_loop3A_83 : i32 to index
          %parallel_loop3A_86 = tpu.vector_load %arg9[%parallel_loop3A_84, %parallel_loop3A_85] {strides = array<i32>} : memref<257x128xf32, #tpu.memory_space<vmem>>, vector<16xf32>,
          %parallel_loop3A_87 = arith.constant 16 : i32
          %parallel_loop3A_88 = arith.muli %parallel_loop3A_66, %parallel_loop3A_87 : i32
          %parallel_loop3A_89 = arith.index_cast %parallel_loop3A_88 : i32 to index
          %parallel_loop3A_90 = tpu.vector_load %arg10[%parallel_loop3A_89] {strides = array<i32>} : memref<8192xf32, #tpu.memory_space<vmem>>, vector<16xf32>,
          tpu.vector_store %arg10[%parallel_loop3A_89], %parallel_loop3A_86 {strides = array<i32>} : memref<8192xf32, #tpu.memory_space<vmem>>, vector<16xf32>,
          %parallel_loop3A_91 = arith.constant 32 : i32
          %parallel_loop3A_92 = arith.muli %scan3A_13, %parallel_loop3A_91 : i32
          %parallel_loop3A_93 = arith.addi %parallel_loop3A_92, %parallel_loop3A_61 : i32
          %parallel_loop3A_94 = arith.constant 1 : i32
          %parallel_loop3A_95 = arith.addi %parallel_loop3A_93, %parallel_loop3A_94 : i32
          %parallel_loop3A_96 = arith.index_cast %parallel_loop3A_95 : i32 to index
          %parallel_loop3A_97 = tpu.vector_load %arg6[%parallel_loop3A_96] {strides = array<i32>} : memref<528xi32, #tpu.memory_space<vmem>>, vector<16xi32>,
          %parallel_loop3A_98 = vector.extract_strided_slice %parallel_loop3A_97 {offsets = [0], sizes = [1], strides = [1]} : vector<16xi32> to vector<1xi32>
          %parallel_loop3A_99 = vector.extract %parallel_loop3A_98[0] : i32 from vector<1xi32>
          %parallel_loop3A_100 = arith.index_cast %parallel_loop3A_95 : i32 to index
          %parallel_loop3A_101 = tpu.vector_load %arg7[%parallel_loop3A_100] {strides = array<i32>} : memref<528xi32, #tpu.memory_space<vmem>>, vector<16xi32>,
          %parallel_loop3A_102 = vector.extract_strided_slice %parallel_loop3A_101 {offsets = [0], sizes = [1], strides = [1]} : vector<16xi32> to vector<1xi32>
          %parallel_loop3A_103 = vector.extract %parallel_loop3A_102[0] : i32 from vector<1xi32>
          %parallel_loop3A_104 = arith.constant 1 : i32
          %parallel_loop3A_105 = arith.addi %parallel_loop3A_61, %parallel_loop3A_104 : i32
          %parallel_loop3A_106 = arith.constant 8 : i32
          %parallel_loop3A_107 = arith.muli %parallel_loop3A_105, %parallel_loop3A_106 : i32
          %parallel_loop3A_108 = arith.constant 7 : i32
          %parallel_loop3A_109 = arith.andi %parallel_loop3A_103, %parallel_loop3A_108 : i32
          %parallel_loop3A_110 = arith.addi %parallel_loop3A_107, %parallel_loop3A_109 : i32
          %parallel_loop3A_111 = arith.constant 127 : i32
          %parallel_loop3A_112 = arith.andi %parallel_loop3A_99, %parallel_loop3A_111 : i32
          %parallel_loop3A_113 = arith.index_cast %parallel_loop3A_110 : i32 to index
          %parallel_loop3A_114 = arith.index_cast %parallel_loop3A_112 : i32 to index
          %parallel_loop3A_115 = tpu.vector_load %arg9[%parallel_loop3A_113, %parallel_loop3A_114] {strides = array<i32>} : memref<257x128xf32, #tpu.memory_space<vmem>>, vector<16xf32>,
          %parallel_loop3A_116 = arith.constant 16 : i32
          %parallel_loop3A_117 = arith.muli %parallel_loop3A_95, %parallel_loop3A_116 : i32
          %parallel_loop3A_118 = arith.index_cast %parallel_loop3A_117 : i32 to index
          %parallel_loop3A_119 = tpu.vector_load %arg10[%parallel_loop3A_118] {strides = array<i32>} : memref<8192xf32, #tpu.memory_space<vmem>>, vector<16xf32>,
          tpu.vector_store %arg10[%parallel_loop3A_118], %parallel_loop3A_115 {strides = array<i32>} : memref<8192xf32, #tpu.memory_space<vmem>>, vector<16xf32>,
          %parallel_loop3A_120 = arith.constant 32 : i32
          %parallel_loop3A_121 = arith.muli %scan3A_13, %parallel_loop3A_120 : i32
          %parallel_loop3A_122 = arith.addi %parallel_loop3A_121, %parallel_loop3A_61 : i32
          %parallel_loop3A_123 = arith.constant 2 : i32
          %parallel_loop3A_124 = arith.addi %parallel_loop3A_122, %parallel_loop3A_123 : i32
          %parallel_loop3A_125 = arith.index_cast %parallel_loop3A_124 : i32 to index
          %parallel_loop3A_126 = tpu.vector_load %arg6[%parallel_loop3A_125] {strides = array<i32>} : memref<528xi32, #tpu.memory_space<vmem>>, vector<16xi32>,
          %parallel_loop3A_127 = vector.extract_strided_slice %parallel_loop3A_126 {offsets = [0], sizes = [1], strides = [1]} : vector<16xi32> to vector<1xi32>
          %parallel_loop3A_128 = vector.extract %parallel_loop3A_127[0] : i32 from vector<1xi32>
          %parallel_loop3A_129 = arith.index_cast %parallel_loop3A_124 : i32 to index
          %parallel_loop3A_130 = tpu.vector_load %arg7[%parallel_loop3A_129] {strides = array<i32>} : memref<528xi32, #tpu.memory_space<vmem>>, vector<16xi32>,
          %parallel_loop3A_131 = vector.extract_strided_slice %parallel_loop3A_130 {offsets = [0], sizes = [1], strides = [1]} : vector<16xi32> to vector<1xi32>
          %parallel_loop3A_132 = vector.extract %parallel_loop3A_131[0] : i32 from vector<1xi32>
          %parallel_loop3A_133 = arith.constant 2 : i32
          %parallel_loop3A_134 = arith.addi %parallel_loop3A_61, %parallel_loop3A_133 : i32
          %parallel_loop3A_135 = arith.constant 8 : i32
          %parallel_loop3A_136 = arith.muli %parallel_loop3A_134, %parallel_loop3A_135 : i32
          %parallel_loop3A_137 = arith.constant 7 : i32
          %parallel_loop3A_138 = arith.andi %parallel_loop3A_132, %parallel_loop3A_137 : i32
          %parallel_loop3A_139 = arith.addi %parallel_loop3A_136, %parallel_loop3A_138 : i32
          %parallel_loop3A_140 = arith.constant 127 : i32
          %parallel_loop3A_141 = arith.andi %parallel_loop3A_128, %parallel_loop3A_140 : i32
          %parallel_loop3A_142 = arith.index_cast %parallel_loop3A_139 : i32 to index
          %parallel_loop3A_143 = arith.index_cast %parallel_loop3A_141 : i32 to index
          %parallel_loop3A_144 = tpu.vector_load %arg9[%parallel_loop3A_142, %parallel_loop3A_143] {strides = array<i32>} : memref<257x128xf32, #tpu.memory_space<vmem>>, vector<16xf32>,
          %parallel_loop3A_145 = arith.constant 16 : i32
          %parallel_loop3A_146 = arith.muli %parallel_loop3A_124, %parallel_loop3A_145 : i32
          %parallel_loop3A_147 = arith.index_cast %parallel_loop3A_146 : i32 to index
          %parallel_loop3A_148 = tpu.vector_load %arg10[%parallel_loop3A_147] {strides = array<i32>} : memref<8192xf32, #tpu.memory_space<vmem>>, vector<16xf32>,
          tpu.vector_store %arg10[%parallel_loop3A_147], %parallel_loop3A_144 {strides = array<i32>} : memref<8192xf32, #tpu.memory_space<vmem>>, vector<16xf32>,
          %parallel_loop3A_149 = arith.constant 32 : i32
          %parallel_loop3A_150 = arith.muli %scan3A_13, %parallel_loop3A_149 : i32
          %parallel_loop3A_151 = arith.addi %parallel_loop3A_150, %parallel_loop3A_61 : i32
          %parallel_loop3A_152 = arith.constant 3 : i32
          %parallel_loop3A_153 = arith.addi %parallel_loop3A_151, %parallel_loop3A_152 : i32
          %parallel_loop3A_154 = arith.index_cast %parallel_loop3A_153 : i32 to index
          %parallel_loop3A_155 = tpu.vector_load %arg6[%parallel_loop3A_154] {strides = array<i32>} : memref<528xi32, #tpu.memory_space<vmem>>, vector<16xi32>,
          %parallel_loop3A_156 = vector.extract_strided_slice %parallel_loop3A_155 {offsets = [0], sizes = [1], strides = [1]} : vector<16xi32> to vector<1xi32>
          %parallel_loop3A_157 = vector.extract %parallel_loop3A_156[0] : i32 from vector<1xi32>
          %parallel_loop3A_158 = arith.index_cast %parallel_loop3A_153 : i32 to index
          %parallel_loop3A_159 = tpu.vector_load %arg7[%parallel_loop3A_158] {strides = array<i32>} : memref<528xi32, #tpu.memory_space<vmem>>, vector<16xi32>,
          %parallel_loop3A_160 = vector.extract_strided_slice %parallel_loop3A_159 {offsets = [0], sizes = [1], strides = [1]} : vector<16xi32> to vector<1xi32>
          %parallel_loop3A_161 = vector.extract %parallel_loop3A_160[0] : i32 from vector<1xi32>
          %parallel_loop3A_162 = arith.constant 3 : i32
          %parallel_loop3A_163 = arith.addi %parallel_loop3A_61, %parallel_loop3A_162 : i32
          %parallel_loop3A_164 = arith.constant 8 : i32
          %parallel_loop3A_165 = arith.muli %parallel_loop3A_163, %parallel_loop3A_164 : i32
          %parallel_loop3A_166 = arith.constant 7 : i32
          %parallel_loop3A_167 = arith.andi %parallel_loop3A_161, %parallel_loop3A_166 : i32
          %parallel_loop3A_168 = arith.addi %parallel_loop3A_165, %parallel_loop3A_167 : i32
          %parallel_loop3A_169 = arith.constant 127 : i32
          %parallel_loop3A_170 = arith.andi %parallel_loop3A_157, %parallel_loop3A_169 : i32
          %parallel_loop3A_171 = arith.index_cast %parallel_loop3A_168 : i32 to index
          %parallel_loop3A_172 = arith.index_cast %parallel_loop3A_170 : i32 to index
          %parallel_loop3A_173 = tpu.vector_load %arg9[%parallel_loop3A_171, %parallel_loop3A_172] {strides = array<i32>} : memref<257x128xf32, #tpu.memory_space<vmem>>, vector<16xf32>,
          %parallel_loop3A_174 = arith.constant 16 : i32
          %parallel_loop3A_175 = arith.muli %parallel_loop3A_153, %parallel_loop3A_174 : i32
          %parallel_loop3A_176 = arith.index_cast %parallel_loop3A_175 : i32 to index
          %parallel_loop3A_177 = tpu.vector_load %arg10[%parallel_loop3A_176] {strides = array<i32>} : memref<8192xf32, #tpu.memory_space<vmem>>, vector<16xf32>,
          tpu.vector_store %arg10[%parallel_loop3A_176], %parallel_loop3A_173 {strides = array<i32>} : memref<8192xf32, #tpu.memory_space<vmem>>, vector<16xf32>,
        } {sc.loop_unroll_factor = 1 : i64, sc.parallel_access}
      } else {
      }
    }
    %scan3A_9 = arith.constant 16 : i32
    %parallel_loop3A_10 = arith.constant 0 : i32
    %parallel_loop3A_11 = arith.constant 512 : i32
    %parallel_loop3A_12 = arith.constant 16 : i32
    scf.for %parallel_loop3A_13 = %parallel_loop3A_10 to %parallel_loop3A_11 step %parallel_loop3A_12  : i32 {
      %parallel_loop3A_14 = tpu.iota {dimensions = array<i32: 0>} : vector<16xi32>
      %parallel_loop3A_15 = vector.broadcast %parallel_loop3A_13 : i32 to vector<16xi32>
      %parallel_loop3A_16 = arith.addi %parallel_loop3A_14, %parallel_loop3A_15 : vector<16xi32>
      %parallel_loop3A_17 = arith.constant 16 : i32
      %parallel_loop3A_18 = vector.broadcast %parallel_loop3A_17 : i32 to vector<16xi32>
      %parallel_loop3A_19 = arith.muli %parallel_loop3A_16, %parallel_loop3A_18 : vector<16xi32>
      %parallel_loop3A_20 = tpu.vector_load_idx %arg10[%parallel_loop3A_19] : memref<8192xf32, #tpu.memory_space<vmem>>[vector<16xi32>], vector<16xf32>,
      %parallel_loop3A_21 = arith.index_cast %parallel_loop3A_13 : i32 to index
      %parallel_loop3A_22 = tpu.vector_load %arg11[%parallel_loop3A_21] {strides = array<i32>} : memref<512xf32, #tpu.memory_space<vmem>>, vector<16xf32>,
      tpu.vector_store %arg11[%parallel_loop3A_21], %parallel_loop3A_20 {strides = array<i32>} : memref<512xf32, #tpu.memory_space<vmem>>, vector<16xf32>,
    } {sc.loop_unroll_factor = 1 : i64, sc.parallel_access}
    "tpu.region"() ({
      %run_scoped3A = tpu.sem_alloc : memref<!tpu.dma_semaphore, #tpu.memory_space<semaphore_mem>>
      %dma_start3A = tpu.memref_slice %arg5[%mul3A_2] : memref<16384xf32, #tpu.memory_space<hbm>> -> memref<512xf32, #tpu.memory_space<hbm>>
      %dma_start3A_13 = tpu.memref_slice %arg5[%mul3A_2] : memref<16384xf32, #tpu.memory_space<hbm>> -> memref<512xf32, #tpu.memory_space<hbm>>
      tpu.enqueue_dma source(%arg11 : memref<512xf32, #tpu.memory_space<vmem>>) target(%dma_start3A_13 : memref<512xf32, #tpu.memory_space<hbm>>) target_semaphore(%run_scoped3A : memref<!tpu.dma_semaphore, #tpu.memory_space<semaphore_mem>>)
      %dma_wait3A = tpu.memref_slice %arg5[%mul3A_2] : memref<16384xf32, #tpu.memory_space<hbm>> -> memref<512xf32, #tpu.memory_space<hbm>>
      %dma_wait3A_14 = tpu.memref_slice %arg5[%mul3A_2] : memref<16384xf32, #tpu.memory_space<hbm>> -> memref<512xf32, #tpu.memory_space<hbm>>
      tpu.wait_dma2 semaphore(%run_scoped3A : memref<!tpu.dma_semaphore, #tpu.memory_space<semaphore_mem>>) src(%arg11 : memref<512xf32, #tpu.memory_space<vmem>>) dst(%dma_wait3A_14 : memref<512xf32, #tpu.memory_space<hbm>>)
      tpu.yield
    }) : () -> ()
    return
  }
}

</mosaic_0001>

<sc_bundles>
// kernel: kernel.3.cloned.1.call-start
scs
__scs_entry_jumppad:
0x0: {  	(pc) =	sbr.rel $0x88, $3  }
0x1: {  	(tag) =	ssettag $0x0;
	lr =	simm.s32 $0x1  }
0x2: {  	[smem:$0x3F9E] =	sst lr;
	_ =	strace $0xD0000000  }
0x3: {  	_ = 	snop  }
0x4: {  	_ = 	snop  }
0x5: {  	_ = 	snop  }
0x6: {  	_ = 	snop  }
0x7: {  	_ = 	snop  }
__scs_overlays_trampoline_lowered:
0x8: {  	[smem:$0x3FAD] =	sst s0  }
0x9: {  	[smem:$0x3FAE] =	sst s1  }
0xa: {  	[smem:$0x3FAF] =	sst s2  }
0xb: {  	[smem:$0x3FB0] =	sst s3  }
0xc: {  	[smem:$0x3FB1] =	sst s4  }
0xd: {  	[smem:$0x3FB2] =	sst s5  }
0xe: {  	[smem:$0x3FB3] =	sst s6  }
0xf: {  	[smem:$0x3FB4] =	sst s7  }
0x10: {  	[smem:$0x3FB5] =	sst s8  }
0x11: {  	[smem:$0x3FB6] =	sst s9;
	s0 =	simm.s32 @!p0 $0x0  }
0x12: {  	s1 =	sld [smem:$0x3F9C];
	s0 =	simm.s32 @p0 $0x1  }
0x13: {  	[smem:$0x3FB7] =	sst s0;
	s0 =	simm.s32 @!p1 $0x0  }
0x14: {  	s2 =	sld [smem:$0x3F9B];
	s0 =	simm.s32 @p1 $0x1  }
0x15: {  	[smem:$0x3FB8] =	sst s0;
	s0 =	simm.s32 @!p2 $0x0  }
0x16: {  	s3 =	sld [smem:$0x3FDB];
	s0 =	simm.s32 @p2 $0x1  }
0x17: {  	s4 =	simm.s32 $0x1BF5;
	[smem:$0x3FBA] =	sst s0  }
0x18: {  	s0 =	sld [smem:$0x3F9D];
	_ =	swait.ge [sflag:s4], $0x0  }
0x19: {  	s7 =	sld [smem:$0x3F9E]  }
0x1a: {  	s8 =	sadd.s32 $0xFFFFE003, lr  }
0x1b: {  	s9 =	sadd.s32 $0xFFFFFEF7, lr;
	s5 =	simm.s32 $0xFFFFFFFF;
	p2 =	slt.u32 s8, $0xFFFFF086  }
0x1c: {  	p1 =	slt.u32 s9, $0xF7A;
	s5 =	simm.s32 @!p2 $0x0  }
0x1d: {  	s5 =	simm.s32 @p1 $0x1;
	p0 =	seq.s32 s7, s2  }
0x1e: {  	s7 =	smul.u32 @!p0 $0xF7A, s2;
	p2 =	seq.s32 @!p0 s5, $0x0  }
0x1f: {  	s9 =	smul.u32 $0xF7A, s1;
	s8 =	simm.s32 @!p0 $0x1BF5;
	p2 =	por !p2, p0  }
0x20: {  	[sflag:s8] =	ssyncset.s32 @!p0 $0xFFFFF086;
	s6 =	sadd.s32 @!p0 s3, s7;
	s7 =	simm.s32 @!p0 $0x108  }
0x21: {  	s3 =	sadd.s32 s3, s9;
	s6 =	sadd.s32 @!p0 $0x88, s6;
	s7 =	simm.s32 @p2 $0x1082  }
0x22: {  	[simem:s7], [sflag:s8] =	dma.local @!p0 [hbm:s6], $0xF7A  }
0x23: {  	s9 =	sor.u32 $0xD0000000, s2;
	s6 =	simm.s32 $0x108;
	_ =	swait.ge @!p0 [sflag:s8], $0x0  }
0x24: {  	s3 =	sadd.s32 $0x88, s3;
	s6 =	simm.s32 @!p1 $0x1082;
	[sflag:s4] =	ssyncset.s32 $0xFFFFF086  }
0x25: {  	[simem:s6], [sflag:s4] =	dma.local [hbm:s3], $0xF7A  }
0x26: {  	[smem:$0x3F9E] =	sst s1;
	(tag) =	ssettag s2;
	_ =	strace s9  }
0x27: {  	s1 =	sld [smem:$0x3FAE]  }
0x28: {  	s2 =	sld [smem:$0x3FAF]  }
0x29: {  	s4 =	sld [smem:$0x3FB1]  }
0x2a: {  	p0 =	seq.s32 s5, $0x0;
	s5 =	sld [smem:$0x3FB2]  }
0x2b: {  	s6 =	sld [smem:$0x3FB3]  }
0x2c: {  	s7 =	sld [smem:$0x3FB4]  }
0x2d: {  	s3 =	simm.s32 $0x108;
	s8 =	sld [smem:$0x3FB5]  }
0x2e: {  	s3 =	simm.s32 @!p0 $0x1082;
	s9 =	sld [smem:$0x3FB6]  }
0x2f: {  	lr =	sadd.s32 s0, s3;
	s0 =	sld [smem:$0x3FAD]  }
0x30: {  	s3 =	sld [smem:$0x3FB0]  }
0x31: {  	[smem:$0x3FB9] =	sst s10  }
0x32: {  	s10 =	sld [smem:$0x3FB7];
	_ =	sdelay $0x3  }
0x33: {  	p0 =	seq.s32 s10, $0x1;
	s10 =	sld [smem:$0x3FB9];
	_ =	sdelay $0x3  }
0x34: {  	[smem:$0x3FB9] =	sst s10  }
0x35: {  	s10 =	sld [smem:$0x3FB8];
	_ =	sdelay $0x3  }
0x36: {  	p1 =	seq.s32 s10, $0x1;
	s10 =	sld [smem:$0x3FB9];
	_ =	sdelay $0x3  }
0x37: {  	[smem:$0x3FB9] =	sst s10  }
0x38: {  	s10 =	sld [smem:$0x3FBA]  }
0x39: {  	_ = 	snop;
	(pc) =	sbr.ind lr, $3  }
0x3a: {  	_ = 	snop  }
0x3b: {  	_ = 	snop  }
0x3c: {  	p2 =	seq.s32 s10, $0x1;
	s10 =	sld [smem:$0x3FB9]  }
0x3d: {  	_ =	shalt  }
0x3e: {  	_ =	shalt  }
0x3f: {  	_ =	shalt  }
0x40: {  	_ =	shalt  }
0x41: {  	_ =	shalt  }
0x42: {  	_ =	shalt  }
0x43: {  	_ =	shalt  }
0x44: {  	_ =	shalt  }
0x45: {  	_ =	shalt  }
0x46: {  	_ =	shalt  }
0x47: {  	_ =	shalt  }
0x48: {  	_ =	shalt  }
0x49: {  	_ =	shalt  }
0x4a: {  	_ =	shalt  }
0x4b: {  	_ =	shalt  }
0x4c: {  	_ =	shalt  }
0x4d: {  	_ =	shalt  }
0x4e: {  	_ =	shalt  }
0x4f: {  	_ =	shalt  }
0x50: {  	_ =	shalt  }
0x51: {  	_ =	shalt  }
0x52: {  	_ =	shalt  }
0x53: {  	_ =	shalt  }
0x54: {  	_ =	shalt  }
0x55: {  	_ =	shalt  }
0x56: {  	_ =	shalt  }
0x57: {  	_ =	shalt  }
0x58: {  	_ =	shalt  }
0x59: {  	_ =	shalt  }
0x5a: {  	_ =	shalt  }
0x5b: {  	_ =	shalt  }
0x5c: {  	_ =	shalt  }
0x5d: {  	_ =	shalt  }
0x5e: {  	_ =	shalt  }
0x5f: {  	_ =	shalt  }
0x60: {  	_ =	shalt  }
0x61: {  	_ =	shalt  }
0x62: {  	_ =	shalt  }
0x63: {  	_ =	shalt  }
0x64: {  	_ =	shalt  }
0x65: {  	_ =	shalt  }
0x66: {  	_ =	shalt  }
0x67: {  	_ =	shalt  }
0x68: {  	_ =	shalt  }
0x69: {  	_ =	shalt  }
0x6a: {  	_ =	shalt  }
0x6b: {  	_ =	shalt  }
0x6c: {  	_ =	shalt  }
0x6d: {  	_ =	shalt  }
0x6e: {  	_ =	shalt  }
0x6f: {  	_ =	shalt  }
0x70: {  	_ =	shalt  }
0x71: {  	_ =	shalt  }
0x72: {  	_ =	shalt  }
0x73: {  	_ =	shalt  }
0x74: {  	_ =	shalt  }
0x75: {  	_ =	shalt  }
0x76: {  	_ =	shalt  }
0x77: {  	_ =	shalt  }
0x78: {  	_ =	shalt  }
0x79: {  	_ =	shalt  }
0x7a: {  	_ =	shalt  }
0x7b: {  	_ =	shalt  }
0x7c: {  	_ =	shalt  }
0x7d: {  	_ =	shalt  }
0x7e: {  	_ =	shalt  }
0x7f: {  	_ =	shalt  }
0x80: {  	_ =	shalt  }
0x81: {  	_ =	shalt  }
0x82: {  	_ =	shalt  }
0x83: {  	_ =	shalt  }
0x84: {  	_ =	shalt  }
0x85: {  	_ =	shalt  }
0x86: {  	_ =	shalt  }
0x87: {  	_ =	shalt  }
.Lfunc_end0:
.L_simem_size_0:
called_computation_lowered:
.L_overlay_start_0:
0x88: {  	s2 =	sld [smem:$0x3FD9]  }
0x89: {  	s3 =	sld [smem:$0x3FFE];
	_ =	sdelay $0x1  }
0x8a: {  	s1 =	srdreg.scid  }
0x8b: {  	s0 =	sand.u32 $0x1, s1  }
0x8c: {  	s18 =	sshll.u32 s0, $0xA;
	s2 =	sadd.s32 s3, s2  }
0x8d: {  	s2 =	sadd.s32 s2, s18  }
0x8e: {  	[smem:$0x3FC5] =	sst s2  }
0x8f: {  	_ = 	snop  }
0x90: {  	s2 =	sld [smem:$0x3FC9]  }
0x91: {  	s19 =	sld [smem:$0x3FC8]  }
0x92: {  	s4 =	sld [smem:$0x3FC7]  }
0x93: {  	s5 =	sld [smem:$0x3FD0];
	(tm) =	ssettm $0x1  }
0x94: {  	s6 =	sld [smem:$0x3FFB];
	_ =	sdelay $0x3  }
0x95: {  	_ =	strace s6  }
0x96: {  	s6 =	sld [smem:$0x3FFC];
	_ =	sdelay $0x3  }
0x97: {  	_ =	strace s6  }
0x98: {  	s6 =	sld [smem:$0x3FFD];
	_ =	sdelay $0x3  }
0x99: {  	_ =	strace s6  }
0x9a: {  	_ =	strace $0x8FFFFFFF  }
0x9b: {  	s20 =	sld [smem:$0x3FDB];
	_ =	sdelay $0x1  }
0x9c: {  	s7 =	simm.s32 $_scs_section_size  }
0x9d: {  	s8 =	simm.s32 $_size__tile_overlayer_lowered;
	s9 =	simm.s32 $_tile_overlayer_lowered  }
0x9e: {  	s23 =	simm.s32 $0x1BFF;
	s22 =	sshll.u32 s9, $0x1;
	s6 =	sadd.s32 s7, s20  }
0x9f: {  	s10 =	simm.s32 $0x0;
	s21 =	sshll.u32 s8, $0x1;
	s8 =	sadd.s32 s22, s6  }
0xa0: {  	[timem:s10], [sflag:s23] =	dma.local [hbm:s8], s21  }
0xa1: {  	_ =	swait.ge [sflag:s23], s21  }
0xa2: {  	s7 =	ssub.s32 $0x0, s21;
	[sflag:s23] =	ssyncset.done $0x0  }
0xa3: {  	[sflag:s23] =	ssyncadd.s32 s7;
	_ =	sdelay $0x1  }
0xa4: {  	s24 =	simm.s32 $0x1B8B  }
0xa5: {  	_ =	swait.ge [sflag:s24], $0x1  }
0xa6: {  	[sflag:s24] =	ssyncset.done $0x0  }
0xa7: {  	s25 =	simm.s32 $0x1B8E;
	[sflag:s24] =	ssyncadd.s32 $0xFFFFFFFF  }
0xa8: {  	s26 =	simm.s32 $execute0_lowered;
	[smem:$0x3FD2] =	sst s25  }
0xa9: {  	s7 =	sshll.u32 s26, $0x1;
	_ =	strace $0x80000046;
	[dreg:$0x1] =	wrdreg $0xFFFFFFFF  }
0xaa: {  	s28 =	simm.s32 $_size_execute0_lowered;
	s6 =	sadd.s32 s6, s7;
	[dreg:$0x0] =	wrdreg $0x0  }
0xab: {  	s7 =	sshll.u32 s28, $0x1;
	[dreg:$0x2] =	wrdreg s6  }
0xac: {  	[dreg:$0x3] =	wrdreg s7  }
0xad: {  	[dreg:$0x4] =	wrdreg $0xC0  }
0xae: {  	_ =	task [dreg:s10], $0x5FFFF  }
0xaf: {  	[dreg:$0x1] =	wrdreg $0xFFFFFFFF  }
0xb0: {  	[dreg:$0x0] =	wrdreg $0x60  }
0xb1: {  	[dreg:$0x2] =	wrdreg s2  }
0xb2: {  	[dreg:$0x3] =	wrdreg s19  }
0xb3: {  	[dreg:$0x4] =	wrdreg s4  }
0xb4: {  	[dreg:$0x5] =	wrdreg s5  }
0xb5: {  	[dreg:$0x6] =	wrdreg $0x9  }
0xb6: {  	_ =	task.clear_ibuf [dreg:s10], $0x7FFFF;
	_ =	strace $0x90000046  }
0xb7: {  	s29 =	simm.s32 $0x9;
	_ =	strace $0x80000048  }
0xb8: {  	_ =	swait.ge [sflag:s29], $0x1  }
0xb9: {  	[sflag:s29] =	ssyncadd.s32 $0xFFFFFFFF  }
0xba: {  	_ =	strace $0x90000048  }
0xbb: {  	_ =	sfence  }
0xbc: {  	s30 =	sld [smem:$0x0];
	_ =	sdelay $0x2  }
0xbd: {  	s31 =	sshll.u32 s1, $0xD;
	s1 =	sshrl.u32 s1, $0x2  }
0xbe: {  	s3 =	sand.u32 $0x4000, s31;
	s1 =	sadd.s32 s1, s30  }
0xbf: {  	s0 =	sor.u32 s3, s0;
	s1 =	sshll.u32 s1, $0x11  }
0xc0: {  	s0 =	sor.u32 s1, s0  }
0xc1: {  	s0 =	sadd.s32 $0x8F2B, s0  }
0xc2: {  	[sflag:s0] =	ssyncadd.remote.s32 $0x1  }
0xc3: {  	_ =	sfence.sel $0xFFFF  }
0xc4: {  	[dreg:$0x0] =	wrdreg $0xFFFFFFFF;
	(pc) =	sbr.abs _section_cstart, $3  }
0xc5: {  	[dreg:$0x1] =	wrdreg $0xFFFFFFFF  }
0xc6: {  	_ =	task.clear_ibuf [dreg:s10], $0x2FFFF;
	_ =	strace $0x9FFFFFFF  }
0xc7: {  	(tm) =	ssettm $0x7FFFFFFF  }
tec
execute0_lowered:
.L_overlay_start_1:
0x0: {  	(tag) =	ssettag $0x1  }
0x1: {  	s0 =	rddreg [dreg:$0x0]  }
0x2: {  	s2 =	rddreg [dreg:$0x1]  }
0x3: {  	s1 =	rddreg [dreg:$0x2];
	s5 =	srdreg.scid  }
0x4: {  	s3 =	simm.s32 $0x0;
	s7 =	stileid.u32;
	s5 =	sand.u32 $0x1, s5  }
0x5: {  	s7 =	sshll.u32 s7, $0x7;
	s6 =	ssub.s32 $0x2, s5;
	s5 =	sshll.u32 s5, $0x6  }
0x6: {  	[smem:$0x7FF] =	sst s3;
	s5 =	sor.u32 s5, s7  }
0x7: {  	s4 =	rddreg [dreg:$0x3];
	_ =	strace $0x80000047;
	s0 =	sadd.s32 s0, s5  }
0x8: {  	s8 =	sshrl.u32 s6, $0x1;
	s29 =	sadd.s32 s2, s5;
	[dreg:$0x5] =	wrdreg s0  }
0x9: {  	s6 =	ssub.s32 s6, s8;
	s30 =	sadd.s32 s4, s5;
	[dreg:$0x6] =	wrdreg s29  }
0xa: {  	v0 =	vlaneseq.u32;
	[dreg:$0x7] =	wrdreg s30;
	s31 =	smax.u32 s6, $0x1  }
0xb: {  	v0 =	vmul.u32 $0x10, v0;
	s2 =	simm.s32 $0x3;
	s4 =	simm.s32 $0x0;
	[dreg:$0x8] =	wrdreg s31  }
.LBB2_1:
0xc: {  	[dreg:$0x9] =	wrdreg s4  }
0xd: {  	s0 =	rddreg [dreg:$0x5]  }
0xe: {  	[tilespmem:s3], [sflag:$0x3] =	stream.linear.gather [hbm4b:s0+s3], $0x200, $0x38;
	[tilespmem:$0x12F00] =	vst v63  }
0xf: {  	_ =	swait.ge [sflag:s2], $0x200  }
0x10: {  	[sflag:s2] =	ssyncset.done $0x0  }
0x11: {  	s17 =	simm.s32 $0x280;
	s16 =	rddreg [dreg:$0x6];
	[sflag:s2] =	ssyncadd.s32 $0xFFFFFE00  }
0x12: {  	[tilespmem:s17], [sflag:$0x3] =	stream.linear.gather [hbm4b:s16+s3], $0x200, $0x38;
	[tilespmem:$0x12F00] =	vst v63  }
0x13: {  	_ =	swait.ge [sflag:s2], $0x200  }
0x14: {  	[sflag:s2] =	ssyncset.done $0x0  }
0x15: {  	s14 =	simm.s32 $0x282;
	[sflag:s2] =	ssyncadd.s32 $0xFFFFFE00  }
0x16: {  	s13 =	simm.s32 $0x2;
	v1 =	vld [tilespmem:s14+$0xFFFFFFFE]  }
0x17: {  	v2 =	vld [tilespmem:s13+$0xFFFFFFFE];
	_ =	sdelay $0x3  }
0x18: {  	(v2sf) =	vpush v1, $0x0  }
0x19: {  	(v2sf) =	vpush v2, $0x0;
	_ =	sdelay $0xa  }
0x1a: {  	s12 =	simm.s32 $0x286  }
0x1b: {  	s10 =	simm.s32 $0x6;
	v1 =	vld [tilespmem:s12+$0xFFFFFFFE]  }
0x1c: {  	v2 =	vld [tilespmem:s10+$0xFFFFFFFE]  }
0x1d: {  	s18 =	spop (v2sf)  }
0x1e: {  	s0 =	sshrl.u32 s18, $0x3;
	s19 =	spop (v2sf)  }
0x1f: {  	s0 =	smul.u32 $0xC3800, s0;
	s2 =	sshll.u32 s19, $0x3  }
0x20: {  	(v2sf) =	vpush v1, $0x0;
	s2 =	sand.u32 $0x7FFFFC00, s2  }
0x21: {  	(v2sf) =	vpush v2, $0x0;
	s0 =	sadd.s32 s0, s2  }
0x22: {  	s0 =	sshrl.u32 s0, $0x3  }
0x23: {  	s20 =	simm.s32 $0x500;
	s0 =	sadd.s32 s1, s0  }
0x24: {  	[tilespmem:s20], [sflag:$0x1] =	stream.linear.gather [hbm4b:s0+s3], $0x400, $0x38;
	[tilespmem:$0x12F00] =	vst v63  }
0x25: {  	v3 =	vld [tilespmem:s14+$0xFFFFFFFF]  }
0x26: {  	v1 =	vld [tilespmem:s13+$0xFFFFFFFF];
	_ =	sdelay $0x3  }
0x27: {  	(v2sf) =	vpush v3, $0x0  }
0x28: {  	(v2sf) =	vpush v1, $0x0;
	_ =	sdelay $0x3  }
0x29: {  	s21 =	spop (v2sf)  }
0x2a: {  	s22 =	spop (v2sf);
	s0 =	sshrl.u32 s21, $0x3  }
0x2b: {  	s2 =	sshll.u32 s22, $0x3;
	s0 =	smul.u32 $0xC3800, s0  }
0x2c: {  	s4 =	simm.s32 $0x28A;
	s2 =	sand.u32 $0x7FFFFC00, s2  }
0x2d: {  	s0 =	sadd.s32 s0, s2;
	s2 =	simm.s32 $0xA;
	v1 =	vld [tilespmem:s4+$0xFFFFFFFE]  }
0x2e: {  	v2 =	vld [tilespmem:s2+$0xFFFFFFFE];
	s0 =	sshrl.u32 s0, $0x3  }
0x2f: {  	s18 =	simm.s32 $0x1500;
	s0 =	sadd.s32 s1, s0  }
0x30: {  	[tilespmem:s18], [sflag:$0x1] =	stream.linear.gather [hbm4b:s0+s3], $0x400, $0x38;
	[tilespmem:$0x12F00] =	vst v63  }
0x31: {  	v3 =	vld [tilespmem:s12+$0xFFFFFFFF]  }
0x32: {  	(v2sf) =	vpush v1, $0x0;
	v1 =	vld [tilespmem:s10+$0xFFFFFFFF]  }
0x33: {  	s5 =	spop (v2sf);
	(v2sf) =	vpush v2, $0x0  }
0x34: {  	s5 =	sshrl.u32 s5, $0x3;
	s6 =	spop (v2sf)  }
0x35: {  	s5 =	smul.u32 $0xC3800, s5;
	s6 =	sshll.u32 s6, $0x3  }
0x36: {  	(v2sf) =	vpush v3, $0x0;
	s23 =	sand.u32 $0x7FFFFC00, s6  }
0x37: {  	(v2sf) =	vpush v1, $0x0;
	s0 =	sadd.s32 s5, s23  }
0x38: {  	s0 =	sshrl.u32 s0, $0x3  }
0x39: {  	s24 =	simm.s32 $0x900;
	s0 =	sadd.s32 s1, s0  }
0x3a: {  	[tilespmem:s24], [sflag:$0x1] =	stream.linear.gather [hbm4b:s0+s3], $0x400, $0x38;
	[tilespmem:$0x12F00] =	vst v63  }
0x3b: {  	v2 =	vld [tilespmem:s14+$0x0]  }
0x3c: {  	v1 =	vld [tilespmem:s13+$0x0];
	_ =	sdelay $0x3  }
0x3d: {  	(v2sf) =	vpush v2, $0x0  }
0x3e: {  	s25 =	spop (v2sf);
	(v2sf) =	vpush v1, $0x0  }
0x3f: {  	s0 =	sshrl.u32 s25, $0x3;
	s26 =	spop (v2sf)  }
0x40: {  	s28 =	smul.u32 $0xC3800, s0;
	s5 =	sshll.u32 s26, $0x3  }
0x41: {  	s6 =	simm.s32 $0xE;
	s7 =	sand.u32 $0x7FFFFC00, s5;
	s5 =	simm.s32 $0x28E  }
0x42: {  	s0 =	simm.s32 $0x2500;
	s8 =	spop (v2sf);
	v1 =	vld [tilespmem:s5+$0xFFFFFFFE];
	s7 =	sadd.s32 s28, s7  }
0x43: {  	v2 =	vld [tilespmem:s6+$0xFFFFFFFE];
	s8 =	sshrl.u32 s8, $0x3;
	s9 =	spop (v2sf);
	s7 =	sshrl.u32 s7, $0x3  }
0x44: {  	s8 =	smul.u32 $0xC3800, s8;
	s9 =	sshll.u32 s9, $0x3;
	s7 =	sadd.s32 s1, s7  }
0x45: {  	[tilespmem:s0], [sflag:$0x1] =	stream.linear.gather [hbm4b:s7+s3], $0x400, $0x38;
	[tilespmem:$0x12F00] =	vst v63  }
0x46: {  	s29 =	sand.u32 $0x7FFFFC00, s9;
	v3 =	vld [tilespmem:s4+$0xFFFFFFFF]  }
0x47: {  	s7 =	sadd.s32 s8, s29;
	(v2sf) =	vpush v1, $0x0;
	v1 =	vld [tilespmem:s2+$0xFFFFFFFF]  }
0x48: {  	s7 =	sshrl.u32 s7, $0x3;
	(v2sf) =	vpush v2, $0x0  }
0x49: {  	s30 =	simm.s32 $0x1900;
	s7 =	sadd.s32 s1, s7  }
0x4a: {  	[tilespmem:s30], [sflag:$0x1] =	stream.linear.gather [hbm4b:s7+s3], $0x400, $0x38;
	[tilespmem:$0x12F00] =	vst v63  }
0x4b: {  	v2 =	vld [tilespmem:s12+$0x0];
	(v2sf) =	vpush v3, $0x0  }
0x4c: {  	s31 =	spop (v2sf);
	(v2sf) =	vpush v1, $0x0;
	v1 =	vld [tilespmem:s10+$0x0]  }
0x4d: {  	s9 =	sshrl.u32 s31, $0x3;
	s11 =	spop (v2sf)  }
0x4e: {  	s9 =	smul.u32 $0xC3800, s9;
	s11 =	sshll.u32 s11, $0x3  }
0x4f: {  	s11 =	sand.u32 $0x7FFFFC00, s11  }
0x50: {  	(v2sf) =	vpush v2, $0x0;
	s7 =	sadd.s32 s9, s11  }
0x51: {  	s7 =	sshrl.u32 s7, $0x3;
	(v2sf) =	vpush v1, $0x0  }
0x52: {  	s15 =	simm.s32 $0xD00;
	s7 =	sadd.s32 s1, s7  }
0x53: {  	[tilespmem:s15], [sflag:$0x1] =	stream.linear.gather [hbm4b:s7+s3], $0x400, $0x38;
	[tilespmem:$0x12F00] =	vst v63  }
0x54: {  	v2 =	vld [tilespmem:s14+$0x1]  }
0x55: {  	v1 =	vld [tilespmem:s13+$0x1]  }
0x56: {  	s16 =	spop (v2sf)  }
0x57: {  	s7 =	sshrl.u32 s16, $0x3;
	s17 =	spop (v2sf)  }
0x58: {  	s19 =	smul.u32 $0xC3800, s7;
	s20 =	sshll.u32 s17, $0x3  }
0x59: {  	(v2sf) =	vpush v2, $0x0;
	s8 =	sand.u32 $0x7FFFFC00, s20  }
0x5a: {  	s7 =	simm.s32 $0x3500;
	(v2sf) =	vpush v1, $0x0;
	s8 =	sadd.s32 s19, s8;
	s21 =	spop (v2sf)  }
0x5b: {  	s8 =	sshrl.u32 s8, $0x3;
	s9 =	sshrl.u32 s21, $0x3;
	s22 =	spop (v2sf)  }
0x5c: {  	s8 =	sadd.s32 s1, s8;
	s23 =	smul.u32 $0xC3800, s9;
	s11 =	sshll.u32 s22, $0x3  }
0x5d: {  	[tilespmem:s7], [sflag:$0x1] =	stream.linear.gather [hbm4b:s8+s3], $0x400, $0x38;
	[tilespmem:$0x12F00] =	vst v63  }
0x5e: {  	s24 =	simm.s32 $0x2900;
	s9 =	simm.s32 $0x292;
	s11 =	sand.u32 $0x7FFFFC00, s11  }
0x5f: {  	s8 =	simm.s32 $0x12;
	s25 =	spop (v2sf);
	v1 =	vld [tilespmem:s9+$0xFFFFFFFE];
	s11 =	sadd.s32 s23, s11  }
0x60: {  	s14 =	sshrl.u32 s25, $0x3;
	v2 =	vld [tilespmem:s8+$0xFFFFFFFE];
	s11 =	sshrl.u32 s11, $0x3;
	s15 =	spop (v2sf)  }
0x61: {  	s14 =	smul.u32 $0xC3800, s14;
	s11 =	sadd.s32 s1, s11;
	s16 =	sshll.u32 s15, $0x3  }
0x62: {  	[tilespmem:s24], [sflag:$0x1] =	stream.linear.gather [hbm4b:s11+s3], $0x400, $0x38;
	[tilespmem:$0x12F00] =	vst v63  }
0x63: {  	v3 =	vld [tilespmem:s5+$0xFFFFFFFF];
	s26 =	sand.u32 $0x7FFFFC00, s16  }
0x64: {  	v4 =	vld [tilespmem:s6+$0xFFFFFFFF];
	(v2sf) =	vpush v1, $0x0;
	s11 =	sadd.s32 s14, s26  }
0x65: {  	(v2sf) =	vpush v2, $0x0;
	s11 =	sshrl.u32 s11, $0x3  }
0x66: {  	s28 =	simm.s32 $0x1D00;
	s11 =	sadd.s32 s1, s11  }
0x67: {  	v5 =	vld [tilespmem:s4+$0x0];
	[tilespmem:s28], [sflag:$0x1] =	stream.linear.gather [hbm4b:s11+s3], $0x400, $0x38  }
0x68: {  	v2 =	vld [tilespmem:s2+$0x0];
	(v2sf) =	vpush v3, $0x0;
	s29 =	spop (v2sf)  }
0x69: {  	s13 =	simm.s32 $0x0;
	s30 =	spop (v2sf);
	(v2sf) =	vpush v4, $0x0  }
0x6a: {  	s17 =	simm.s32 $0x0;
	s19 =	simm.s32 $0x1100;
	s14 =	sshrl.u32 s29, $0x3  }
0x6b: {  	s15 =	simm.s32 $0x10;
	s20 =	smul.u32 $0xC3800, s14;
	s31 =	sshll.u32 s30, $0x3  }
0x6c: {  	v1 =	vld [tilespmem:s12+$0x1];
	s12 =	simm.s32 $0x0;
	(v2sf) =	vpush v5, $0x0;
	s14 =	simm.s32 $0x0;
	s11 =	sand.u32 $0x7FFFFC00, s31  }
.LBB2_2:
0x6d: {  	s15 =	sadd.s32 $0x4, s15;
	(v2sf) =	vpush v2, $0x0;
	v2 =	vld [tilespmem:s10+$0x1];
	s10 =	sadd.s32 s20, s11;
	s24 =	simm.s32 $0x2A3  }
0x6e: {  	s21 =	smov.u32 s18;
	s18 =	smov.u32 s0;
	s0 =	smov.u32 s7  }
0x6f: {  	s11 =	smov.u32 s4;
	p0 =	slt.u32 s15, $0x1C;
	s10 =	sshrl.u32 s10, $0x3  }
0x70: {  	s4 =	smov.u32 s5;
	s5 =	smov.u32 s9;
	s10 =	sadd.s32 s1, s10  }
0x71: {  	[tilespmem:s19], [sflag:$0x1] =	stream.linear.gather [hbm4b:s10+s13], $0x400, $0x38;
	[tilespmem:$0x12F00] =	vst v63  }
0x72: {  	s13 =	smov.u32 s14;
	s14 =	smov.u32 s12;
	s12 =	smov.u32 s17;
	(v2sf) =	vpush v1, $0x0  }
0x73: {  	s10 =	smov.u32 s2;
	s2 =	smov.u32 s6;
	s17 =	spop (v2sf);
	(v2sf) =	vpush v2, $0x0  }
0x74: {  	s6 =	smov.u32 s8;
	s17 =	sshrl.u32 s17, $0x3;
	s19 =	spop (v2sf)  }
0x75: {  	s7 =	sadd.s32 $0x1000, s7;
	s20 =	smul.u32 $0xC3800, s17;
	s17 =	sshll.u32 s19, $0x3  }
0x76: {  	s9 =	sadd.s32 $0x4, s9;
	s19 =	sand.u32 $0x7FFFFC00, s17;
	s17 =	simm.s32 $0x0  }
0x77: {  	s8 =	sadd.s32 $0x4, s8;
	v1 =	vld [tilespmem:s9+$0xFFFFFFFE];
	s19 =	sadd.s32 s20, s19;
	s20 =	spop (v2sf)  }
0x78: {  	v2 =	vld [tilespmem:s8+$0xFFFFFFFE];
	s19 =	sshrl.u32 s19, $0x3;
	s20 =	sshrl.u32 s20, $0x3;
	s22 =	spop (v2sf)  }
0x79: {  	s19 =	sadd.s32 s1, s19;
	s20 =	smul.u32 $0xC3800, s20;
	s22 =	sshll.u32 s22, $0x3  }
0x7a: {  	[tilespmem:s7], [sflag:$0x1] =	stream.linear.gather [hbm4b:s19+s17], $0x400, $0x38;
	[tilespmem:$0x12F00] =	vst v63  }
0x7b: {  	s19 =	sand.u32 $0x7FFFFC00, s22;
	v3 =	vld [tilespmem:s5+$0xFFFFFFFF]  }
0x7c: {  	s19 =	sadd.s32 s20, s19;
	s20 =	sadd.s32 $0x400, s0;
	(v2sf) =	vpush v1, $0x0;
	v1 =	vld [tilespmem:s6+$0xFFFFFFFF];
	s22 =	spop (v2sf)  }
0x7d: {  	s19 =	sshrl.u32 s19, $0x3;
	(v2sf) =	vpush v2, $0x0;
	s22 =	sshrl.u32 s22, $0x3;
	s23 =	spop (v2sf)  }
0x7e: {  	s19 =	sadd.s32 s1, s19;
	s22 =	smul.u32 $0xC3800, s22;
	s23 =	sshll.u32 s23, $0x3  }
0x7f: {  	[tilespmem:s20], [sflag:$0x1] =	stream.linear.gather [hbm4b:s19+s12], $0x400, $0x38;
	[tilespmem:$0x12F00] =	vst v63  }
0x80: {  	s19 =	sand.u32 $0x7FFFFC00, s23  }
0x81: {  	(v2sf) =	vpush v3, $0x0;
	v3 =	vld [tilespmem:s4+$0x0];
	s19 =	sadd.s32 s22, s19  }
.Ltmp0:
0x82: {  	s22 =	sadd.s32 $0x800, s18;
	(v2sf) =	vpush v1, $0x0;
	v2 =	vld [tilespmem:s2+$0x0];
	s20 =	spop (v2sf);
	(pc) =	sbr.rel @p0 .LBB2_2-.Ltmp0, $4  }
0x83: {  	s19 =	sshrl.u32 s19, $0x3;
	s20 =	sshrl.u32 s20, $0x3;
	s23 =	spop (v2sf)  }
0x84: {  	s19 =	sadd.s32 s1, s19;
	s20 =	smul.u32 $0xC3800, s20;
	s23 =	sshll.u32 s23, $0x3  }
0x85: {  	[tilespmem:s22], [sflag:$0x1] =	stream.linear.gather [hbm4b:s19+s14], $0x400, $0x38;
	[tilespmem:$0x12F00] =	vst v63  }
0x86: {  	s19 =	sadd.s32 $0xC00, s21;
	(v2sf) =	vpush v3, $0x0;
	v1 =	vld [tilespmem:s11+$0x1];
	s11 =	sand.u32 $0x7FFFFC00, s23  }
0x87: {  	_ =	sdelay $0x3  }
0x88: {  	s15 =	spop (v2sf)  }
0x89: {  	s15 =	sshrl.u32 s15, $0x3;
	s21 =	spop (v2sf)  }
0x8a: {  	s15 =	smul.u32 $0xC3800, s15;
	s21 =	sshll.u32 s21, $0x3  }
0x8b: {  	s21 =	sand.u32 $0x7FFFFC00, s21  }
0x8c: {  	s15 =	sadd.s32 s15, s21  }
0x8d: {  	s15 =	sshrl.u32 s15, $0x3  }
0x8e: {  	(v2sf) =	vpush v2, $0x0;
	v2 =	vld [tilespmem:s10+$0x1];
	s10 =	sadd.s32 $0x1000, s7;
	s15 =	sadd.s32 s1, s15  }
0x8f: {  	[tilespmem:s10], [sflag:$0x1] =	stream.linear.gather [hbm4b:s15+s17], $0x400, $0x38;
	[tilespmem:$0x12F00] =	vst v63  }
0x90: {  	v3 =	vld [tilespmem:s9+$0xFFFFFFFF]  }
0x91: {  	v4 =	vld [tilespmem:s8+$0xFFFFFFFF]  }
0x92: {  	(v2sf) =	vpush v1, $0x0  }
0x93: {  	(v2sf) =	vpush v2, $0x0;
	_ =	sdelay $0x1  }
0x94: {  	s22 =	spop (v2sf);
	(v2sf) =	vpush v3, $0x0  }
0x95: {  	s23 =	spop (v2sf);
	s15 =	sshrl.u32 s22, $0x3;
	(v2sf) =	vpush v4, $0x0  }
0x96: {  	s21 =	sshll.u32 s23, $0x3;
	s15 =	smul.u32 $0xC3800, s15  }
0x97: {  	s21 =	sand.u32 $0x7FFFFC00, s21  }
0x98: {  	s15 =	sadd.s32 s15, s21  }
0x99: {  	s15 =	sshrl.u32 s15, $0x3  }
0x9a: {  	s25 =	sadd.s32 $0x400, s7;
	s22 =	spop (v2sf);
	s15 =	sadd.s32 s1, s15  }
0x9b: {  	[tilespmem:s25], [sflag:$0x1] =	stream.linear.gather [hbm4b:s15+s17], $0x400, $0x38;
	[tilespmem:$0x12F00] =	vst v63  }
0x9c: {  	s22 =	sshrl.u32 s22, $0x3;
	s23 =	spop (v2sf)  }
0x9d: {  	s22 =	smul.u32 $0xC3800, s22;
	s23 =	sshll.u32 s23, $0x3  }
0x9e: {  	s26 =	sand.u32 $0x7FFFFC00, s23  }
0x9f: {  	s15 =	sadd.s32 s22, s26  }
0xa0: {  	s21 =	spop (v2sf);
	s15 =	sshrl.u32 s15, $0x3  }
0xa1: {  	s28 =	sadd.s32 $0x800, s0;
	v1 =	vld [tilespmem:s5+$0x0];
	s23 =	spop (v2sf);
	s15 =	sadd.s32 s1, s15  }
0xa2: {  	v2 =	vld [tilespmem:s6+$0x0];
	[tilespmem:s28], [sflag:$0x1] =	stream.linear.gather [hbm4b:s15+s12], $0x400, $0x38  }
0xa3: {  	s29 =	spop (v2sf)  }
0xa4: {  	s15 =	sshrl.u32 s29, $0x3;
	s30 =	spop (v2sf)  }
0xa5: {  	s15 =	smul.u32 $0xC3800, s15;
	s22 =	sshll.u32 s30, $0x3  }
0xa6: {  	(v2sf) =	vpush v1, $0x0;
	s22 =	sand.u32 $0x7FFFFC00, s22  }
0xa7: {  	(v2sf) =	vpush v2, $0x0;
	s15 =	sadd.s32 s15, s22  }
0xa8: {  	s31 =	sshrl.u32 s15, $0x3  }
0xa9: {  	v3 =	vld [tilespmem:s4+$0x1];
	s15 =	sadd.s32 $0x400, s10;
	s4 =	sadd.s32 s1, s31  }
0xaa: {  	v1 =	vld [tilespmem:s2+$0x1];
	[tilespmem:s15], [sflag:$0x1] =	stream.linear.gather [hbm4b:s4+s17], $0x400, $0x38  }
0xab: {  	v2 =	vld [tilespmem:s9+$0x0]  }
0xac: {  	v63 =	vld [tilespmem:s8+$0x0];
	_ =	sdelay $0x1  }
0xad: {  	(v2sf) =	vpush v3, $0x0  }
0xae: {  	(v2sf) =	vpush v1, $0x0  }
0xaf: {  	(v2sf) =	vpush v2, $0x0  }
0xb0: {  	s16 =	sadd.s32 s20, s11;
	(v2sf) =	vpush v63, $0x0  }
0xb1: {  	s2 =	sshrl.u32 s16, $0x3  }
0xb2: {  	s2 =	sadd.s32 s1, s2  }
0xb3: {  	[tilespmem:s19], [sflag:$0x1] =	stream.linear.gather [hbm4b:s2+s13], $0x400, $0x38;
	[tilespmem:$0x12F00] =	vst v63  }
0xb4: {  	s19 =	spop (v2sf)  }
0xb5: {  	s2 =	sshrl.u32 s19, $0x3;
	s20 =	spop (v2sf)  }
0xb6: {  	s2 =	smul.u32 $0xC3800, s2;
	s4 =	sshll.u32 s20, $0x3  }
0xb7: {  	s4 =	sand.u32 $0x7FFFFC00, s4  }
0xb8: {  	s2 =	sadd.s32 s2, s4  }
0xb9: {  	s2 =	sshrl.u32 s2, $0x3  }
0xba: {  	s25 =	sadd.s32 $0x800, s7;
	s2 =	sadd.s32 s1, s2  }
0xbb: {  	[tilespmem:s25], [sflag:$0x1] =	stream.linear.gather [hbm4b:s2+s17], $0x400, $0x38;
	[tilespmem:$0x12F00] =	vst v63  }
0xbc: {  	s22 =	spop (v2sf)  }
0xbd: {  	v1 =	vld [tilespmem:s5+$0x1];
	s26 =	spop (v2sf)  }
0xbe: {  	v2 =	vld [tilespmem:s6+$0x1];
	s28 =	spop (v2sf)  }
0xbf: {  	s2 =	sshrl.u32 s28, $0x3;
	s29 =	spop (v2sf)  }
0xc0: {  	s2 =	smul.u32 $0xC3800, s2;
	s5 =	sshll.u32 s29, $0x3  }
0xc1: {  	s5 =	sand.u32 $0x7FFFFC00, s5  }
0xc2: {  	(v2sf) =	vpush v1, $0x0;
	s2 =	sadd.s32 s2, s5  }
0xc3: {  	(v2sf) =	vpush v2, $0x0;
	s2 =	sshrl.u32 s2, $0x3  }
0xc4: {  	s16 =	sadd.s32 $0x800, s10;
	s2 =	sadd.s32 s1, s2  }
0xc5: {  	[tilespmem:s16], [sflag:$0x1] =	stream.linear.gather [hbm4b:s2+s17], $0x400, $0x38;
	[tilespmem:$0x12F00] =	vst v63  }
0xc6: {  	v1 =	vld [tilespmem:s9+$0x1]  }
0xc7: {  	s30 =	sshrl.u32 s21, $0x3;
	v2 =	vld [tilespmem:s8+$0x1]  }
0xc8: {  	s31 =	smul.u32 $0xC3800, s30;
	s15 =	sshll.u32 s23, $0x3  }
0xc9: {  	s19 =	sand.u32 $0x7FFFFC00, s15  }
0xca: {  	s2 =	sadd.s32 s31, s19  }
0xcb: {  	s2 =	sshrl.u32 s2, $0x3;
	(v2sf) =	vpush v1, $0x0  }
0xcc: {  	s20 =	sadd.s32 $0xC00, s18;
	s21 =	sshrl.u32 s22, $0x3;
	s2 =	sadd.s32 s1, s2;
	(v2sf) =	vpush v2, $0x0  }
0xcd: {  	[tilespmem:s20], [sflag:$0x1] =	stream.linear.gather [hbm4b:s2+s14], $0x400, $0x38;
	[tilespmem:$0x12F00] =	vst v63  }
0xce: {  	s22 =	sshll.u32 s26, $0x3;
	s2 =	smul.u32 $0xC3800, s21  }
0xcf: {  	s4 =	sand.u32 $0x7FFFFC00, s22  }
0xd0: {  	s2 =	sadd.s32 s2, s4  }
0xd1: {  	s23 =	sadd.s32 $0xC00, s0;
	s25 =	spop (v2sf);
	s2 =	sshrl.u32 s2, $0x3  }
0xd2: {  	s0 =	sshrl.u32 s25, $0x3;
	s26 =	spop (v2sf);
	s2 =	sadd.s32 s1, s2  }
0xd3: {  	[tilespmem:s23], [sflag:$0x1] =	stream.linear.gather [hbm4b:s2+s12], $0x400, $0x38;
	[tilespmem:$0x12F00] =	vst v63  }
0xd4: {  	s0 =	smul.u32 $0xC3800, s0;
	s2 =	sshll.u32 s26, $0x3  }
0xd5: {  	s2 =	sand.u32 $0x7FFFFC00, s2  }
0xd6: {  	s0 =	sadd.s32 s0, s2  }
0xd7: {  	s0 =	sshrl.u32 s0, $0x3  }
0xd8: {  	s28 =	sadd.s32 $0xC00, s7;
	s0 =	sadd.s32 s1, s0  }
0xd9: {  	[tilespmem:s28], [sflag:$0x1] =	stream.linear.gather [hbm4b:s0+s17], $0x400, $0x38;
	[tilespmem:$0x12F00] =	vst v63  }
0xda: {  	s29 =	spop (v2sf)  }
0xdb: {  	s0 =	sshrl.u32 s29, $0x3;
	s30 =	spop (v2sf)  }
0xdc: {  	s0 =	smul.u32 $0xC3800, s0;
	s2 =	sshll.u32 s30, $0x3  }
.Ltmp1:
0xdd: {  	s2 =	sand.u32 $0x7FFFFC00, s2;
	(pc) =	sbr.rel .LBB2_4-.Ltmp1, $4  }
0xde: {  	s31 =	sadd.s32 $0xC00, s10;
	s0 =	sadd.s32 s0, s2  }
0xdf: {  	s25 =	simm.s32 $0x10D20;
	s16 =	simm.s32 $0x282;
	s0 =	sshrl.u32 s0, $0x3  }
0xe0: {  	s23 =	simm.s32 $0x2;
	s26 =	simm.s32 $0x23;
	s0 =	sadd.s32 s1, s0  }
0xe1: {  	[tilespmem:s31], [sflag:$0x1] =	stream.linear.gather [hbm4b:s0+s17], $0x400, $0x38;
	[tilespmem:$0x12F00] =	vst v63  }
.LBB2_16:
0xe2: {  	_ =	sdelay $0x2  }
0xe3: {  	s15 =	spop (v2sf);
	s19 =	sand.u32 $0x7F, s20;
	s13 =	sadd.s32 $0x40, s13  }
0xe4: {  	s15 =	sand.u32 $0x7, s15;
	s16 =	spop (v2sf);
	s19 =	sshll.u32 s19, $0x2  }
0xe5: {  	s15 =	sshll.u32 s15, $0x9;
	s20 =	spop (v2sf);
	s16 =	sand.u32 $0x7F, s16  }
0xe6: {  	v3 =	vld [tilespmem:s11+$0x0];
	s20 =	sand.u32 $0x7, s20;
	s19 =	sor.u32 s19, s15;
	s16 =	sshll.u32 s16, $0x2  }
0xe7: {  	s20 =	sshll.u32 s20, $0x9;
	s11 =	sshrl.u32 s19, $0x2;
	s19 =	spop (v2sf)  }
0xe8: {  	s15 =	sor.u32 s16, s20;
	s11 =	sadd.s32 s11, s5;
	s20 =	spop (v2sf)  }
0xe9: {  	v4 =	vld [tilespmem:s11+$0x800];
	s15 =	sshrl.u32 s15, $0x2;
	s16 =	sand.u32 $0x7F, s19;
	s20 =	sand.u32 $0x7, s20  }
0xea: {  	v5 =	vld [tilespmem:s25+$0x0];
	s11 =	sadd.s32 s15, s2;
	s15 =	sshll.u32 s16, $0x2;
	s16 =	sshll.u32 s20, $0x9  }
0xeb: {  	[tilespmem:s13+$0xFFFFFFE0] =	vst v3;
	v3 =	vld [tilespmem:s11+$0x400];
	s15 =	sor.u32 s15, s16  }
0xec: {  	v6 =	vld [tilespmem:s30+$0xFFFFFFFF];
	s19 =	sadd.s32 $0x1000, s12;
	s11 =	sshrl.u32 s15, $0x2  }
0xed: {  	v7 =	vld [tilespmem:s31+$0xFFFFFFFF];
	s11 =	sadd.s32 s11, s19  }
0xee: {  	[tilespmem:s23+$0x0] =	vst v4;
	v57 =	vld [tilespmem:s11+$0x0]  }
0xef: {  	(v2sf) =	vpush v1, $0x0;
	v1 =	vld [tilespmem:s9+$0x1]  }
0xf0: {  	(v2sf) =	vpush v2, $0x0;
	v2 =	vld [tilespmem:s29+$0x1];
	[tilespmem:s6+$0xFFFFFFF0] =	vst v3  }
0xf1: {  	(v2sf) =	vpush v5, $0x0;
	v3 =	vld [tilespmem:s28+$0x0]  }
0xf2: {  	(v2sf) =	vpush v6, $0x0;
	s15 =	sadd.s32 $0x40, s13;
	v58 =	vld [tilespmem:s0+$0x0]  }
0xf3: {  	(v2sf) =	vpush v7, $0x0;
	[tilespmem:s15+$0xFFFFFFE0] =	vst v57  }
0xf4: {  	(v2sf) =	vpush v1, $0x0;
	v1 =	vld [tilespmem:s7+$0xFFFFFFFF]  }
0xf5: {  	(v2sf) =	vpush v2, $0x0;
	v2 =	vld [tilespmem:s8+$0xFFFFFFFF]  }
0xf6: {  	(v2sf) =	vpush v3, $0x0  }
0xf7: {  	(v2sf) =	vpush v58, $0x0;
	_ =	sdelay $0x1  }
0xf8: {  	(v2sf) =	vpush v1, $0x0  }
0xf9: {  	(v2sf) =	vpush v2, $0x0;
	_ =	sdelay $0x2  }
0xfa: {  	s16 =	spop (v2sf)  }
0xfb: {  	s20 =	spop (v2sf)  }
0xfc: {  	[dreg:$0xf] =	wrdreg s16;
	s9 =	spop (v2sf)  }
0xfd: {  	s29 =	smov.u32 s13;
	[dreg:$0x10] =	wrdreg s20;
	s13 =	spop (v2sf)  }
0xfe: {  	s11 =	sand.u32 $0x7F, s9;
	s16 =	sand.u32 $0x7, s13;
	s20 =	spop (v2sf)  }
0xff: {  	s11 =	sshll.u32 s11, $0x2;
	s16 =	sshll.u32 s16, $0x9;
	s9 =	spop (v2sf)  }
0x100: {  	s13 =	sor.u32 s11, s16;
	s20 =	sand.u32 $0x7F, s20;
	s16 =	spop (v2sf)  }
0x101: {  	s9 =	sand.u32 $0x7, s9;
	[dreg:$0x13] =	wrdreg s16;
	s16 =	spop (v2sf)  }
0x102: {  	s20 =	sshll.u32 s20, $0x2;
	s9 =	sshll.u32 s9, $0x9;
	s11 =	spop (v2sf)  }
0x103: {  	s13 =	sshrl.u32 s13, $0x2;
	s9 =	sor.u32 s20, s9;
	s20 =	spop (v2sf)  }
0x104: {  	s13 =	sadd.s32 s13, s10;
	s11 =	sand.u32 $0x7F, s11;
	s20 =	sand.u32 $0x7, s20  }
0x105: {  	v1 =	vld [tilespmem:s13+$0x800];
	s11 =	sshll.u32 s11, $0x2;
	s13 =	sshll.u32 s20, $0x9;
	s20 =	spop (v2sf)  }
0x106: {  	s9 =	sshrl.u32 s9, $0x2;
	s11 =	sor.u32 s11, s13;
	s13 =	spop (v2sf)  }
0x107: {  	s9 =	sadd.s32 s9, s12;
	s20 =	sand.u32 $0x7F, s20;
	s13 =	sand.u32 $0x7, s13  }
0x108: {  	v2 =	vld [tilespmem:s9+$0x400];
	s9 =	sshrl.u32 s11, $0x2;
	s20 =	sshll.u32 s20, $0x2;
	s13 =	sshll.u32 s13, $0x9  }
0x109: {  	s9 =	sadd.s32 s9, s2;
	s11 =	sor.u32 s20, s13  }
0x10a: {  	[tilespmem:s24+$0x0] =	vst v1;
	v3 =	vld [tilespmem:s9+$0x800];
	s11 =	sshrl.u32 s11, $0x2  }
0x10b: {  	v1 =	vld [tilespmem:s26+$0x1];
	s9 =	sadd.s32 s11, s19  }
0x10c: {  	v4 =	vld [tilespmem:s9+$0x400]  }
0x10d: {  	[tilespmem:s29+$0xFFFFFFF0] =	vst v2;
	v59 =	vld [tilespmem:s25+$0x1]  }
0x10e: {  	v2 =	vld [tilespmem:s30+$0x0]  }
0x10f: {  	v60 =	vld [tilespmem:s31+$0x0];
	[tilespmem:s6+$0x0] =	vst v3  }
0x110: {  	v3 =	vld [tilespmem:s28+$0x1]  }
0x111: {  	(v2sf) =	vpush v1, $0x0;
	v1 =	vld [tilespmem:s0+$0x1];
	[tilespmem:s15+$0xFFFFFFF0] =	vst v4  }
0x112: {  	(v2sf) =	vpush v59, $0x0;
	v4 =	vld [tilespmem:s7+$0x0]  }
0x113: {  	(v2sf) =	vpush v2, $0x0;
	v2 =	vld [tilespmem:s8+$0x0]  }
0x114: {  	(v2sf) =	vpush v60, $0x0  }
0x115: {  	(v2sf) =	vpush v3, $0x0  }
0x116: {  	(v2sf) =	vpush v1, $0x0  }
0x117: {  	(v2sf) =	vpush v4, $0x0  }
0x118: {  	(v2sf) =	vpush v2, $0x0;
	_ =	sdelay $0x7  }
0x119: {  	s0 =	spop (v2sf)  }
0x11a: {  	s9 =	spop (v2sf)  }
0x11b: {  	s13 =	spop (v2sf)  }
0x11c: {  	s26 =	spop (v2sf)  }
0x11d: {  	s20 =	spop (v2sf)  }
0x11e: {  	s25 =	spop (v2sf)  }
0x11f: {  	s11 =	sand.u32 $0x7F, s13;
	s13 =	sand.u32 $0x7, s26;
	s26 =	spop (v2sf)  }
0x120: {  	s11 =	sshll.u32 s11, $0x2;
	s13 =	sshll.u32 s13, $0x9;
	s28 =	spop (v2sf)  }
0x121: {  	s11 =	sor.u32 s11, s13;
	s13 =	sand.u32 $0x7F, s26;
	s28 =	sand.u32 $0x7, s28  }
0x122: {  	s11 =	sshrl.u32 s11, $0x2;
	s13 =	sshll.u32 s13, $0x2;
	s26 =	sshll.u32 s28, $0x9  }
0x123: {  	s11 =	sadd.s32 s11, s12;
	s13 =	sor.u32 s13, s26  }
0x124: {  	v1 =	vld [tilespmem:s11+$0x800];
	s26 =	sshrl.u32 s13, $0x2  }
0x125: {  	s11 =	sadd.s32 s26, s19  }
0x126: {  	v2 =	vld [tilespmem:s11+$0x800];
	_ =	sdelay $0x2  }
0x127: {  	[tilespmem:s29+$0x0] =	vst v1  }
0x128: {  	v1 =	vld [tilespmem:s30+$0x1]  }
0x129: {  	v3 =	vld [tilespmem:s31+$0x1];
	[tilespmem:s15+$0x0] =	vst v2  }
0x12a: {  	v2 =	vld [tilespmem:s7+$0x1]  }
0x12b: {  	v61 =	vld [tilespmem:s8+$0x1];
	_ =	sdelay $0x1  }
0x12c: {  	(v2sf) =	vpush v1, $0x0  }
0x12d: {  	(v2sf) =	vpush v3, $0x0  }
0x12e: {  	(v2sf) =	vpush v2, $0x0  }
0x12f: {  	(v2sf) =	vpush v61, $0x0;
	_ =	sdelay $0x2  }
0x130: {  	s0 =	sand.u32 $0x7F, s0;
	s9 =	sand.u32 $0x7, s9  }
0x131: {  	s0 =	sshll.u32 s0, $0x2;
	s9 =	sshll.u32 s9, $0x9;
	s28 =	rddreg [dreg:$0xf]  }
0x132: {  	s16 =	sand.u32 $0x7, s16;
	s0 =	sor.u32 s0, s9;
	s30 =	rddreg [dreg:$0x10]  }
0x133: {  	s31 =	sadd.s32 s18, s14;
	s7 =	sand.u32 $0x7F, s28;
	s8 =	sand.u32 $0x7, s30  }
0x134: {  	s14 =	rddreg [dreg:$0x13];
	s7 =	sshll.u32 s7, $0x2;
	s8 =	sshll.u32 s8, $0x9  }
0x135: {  	s0 =	sshrl.u32 s0, $0x2;
	s7 =	sor.u32 s7, s8;
	s8 =	sand.u32 $0x7F, s14  }
0x136: {  	s20 =	sand.u32 $0x7F, s20;
	s13 =	sshll.u32 s16, $0x9;
	s8 =	sshll.u32 s8, $0x2  }
0x137: {  	s25 =	sand.u32 $0x7, s25;
	s7 =	sshrl.u32 s7, $0x2;
	s8 =	sor.u32 s8, s13  }
0x138: {  	s4 =	sadd.s32 s7, s4;
	s7 =	sshll.u32 s20, $0x2;
	s8 =	sshrl.u32 s8, $0x2  }
0x139: {  	s18 =	sadd.s32 s8, s5;
	s8 =	sshll.u32 s25, $0x9;
	s26 =	spop (v2sf)  }
0x13a: {  	s0 =	sadd.s32 s0, s10;
	s7 =	sor.u32 s7, s8;
	s28 =	spop (v2sf)  }
0x13b: {  	v62 =	vld [tilespmem:s0+$0xC00];
	s7 =	sshrl.u32 s7, $0x2;
	s9 =	sand.u32 $0x7F, s26;
	s30 =	spop (v2sf)  }
0x13c: {  	v1 =	vld [tilespmem:s31+$0xC00];
	s8 =	sand.u32 $0x7, s28;
	s9 =	sshll.u32 s9, $0x2;
	s31 =	spop (v2sf)  }
0x13d: {  	v2 =	vld [tilespmem:s4+$0xC00];
	s8 =	sshll.u32 s8, $0x9;
	s13 =	sand.u32 $0x7F, s30;
	s14 =	sand.u32 $0x7, s31  }
0x13e: {  	v3 =	vld [tilespmem:s18+$0xC00];
	s4 =	sor.u32 s9, s8;
	s16 =	sshll.u32 s13, $0x2;
	s18 =	sshll.u32 s14, $0x9  }
0x13f: {  	s20 =	sadd.s32 s7, s2;
	s25 =	sshrl.u32 s4, $0x2;
	s26 =	sor.u32 s16, s18  }
0x140: {  	v63 =	vld [tilespmem:s20+$0xC00];
	s28 =	sadd.s32 s25, s12;
	s30 =	sshrl.u32 s26, $0x2  }
0x141: {  	[tilespmem:s21+$0x10] =	vst v1;
	v1 =	vld [tilespmem:s28+$0xC00];
	s31 =	sadd.s32 s30, s19  }
0x142: {  	[tilespmem:s22+$0x10] =	vst v2;
	v2 =	vld [tilespmem:s31+$0xC00]  }
0x143: {  	[tilespmem:s24+$0x10] =	vst v62  }
0x144: {  	[tilespmem:s23+$0x10] =	vst v3  }
0x145: {  	[tilespmem:s6+$0x10] =	vst v63  }
0x146: {  	[tilespmem:s29+$0x10] =	vst v1  }
0x147: {  	[tilespmem:s15+$0x10] =	vst v2  }
.LBB2_17:
0x148: {  	s17 =	sadd.s32 $0x1, s17  }
0x149: {  	s24 =	rddreg [dreg:$0xb];
	p0 =	sne.s32 s17, $0x10  }
.Ltmp2:
0x14a: {  	s26 =	rddreg [dreg:$0xe];
	(pc) =	sbr.rel @!p0 .LBB2_18-.Ltmp2, $4  }
0x14b: {  	s16 =	rddreg [dreg:$0xa]  }
0x14c: {  	s23 =	rddreg [dreg:$0xc]  }
0x14d: {  	s25 =	rddreg [dreg:$0xd];
	s24 =	sadd.s32 $0x20, s24;
	s26 =	sadd.s32 $0x20, s26  }
0x14e: {  	s16 =	sadd.s32 $0x20, s16;
	s23 =	sadd.s32 $0x20, s23;
	s25 =	sadd.s32 $0x200, s25  }
.LBB2_4:
0x14f: {  	s0 =	sand.u32 $0x1, s17  }
0x150: {  	p0 =	seq.s32 s0, $0x1  }
.Ltmp3:
0x151: {  	[dreg:$0xa] =	wrdreg s16;
	(pc) =	sbr.rel @p0 .LBB2_10-.Ltmp3, $4  }
0x152: {  	[dreg:$0xb] =	wrdreg s24  }
0x153: {  	[dreg:$0xc] =	wrdreg s23  }
0x154: {  	[dreg:$0xd] =	wrdreg s25  }
0x155: {  	[dreg:$0xe] =	wrdreg s26  }
0x156: {  	s0 =	simm.s32 $0x1  }
0x157: {  	_ =	swait.ge [sflag:s0], $0x2000  }
0x158: {  	[sflag:s0] =	ssyncset.done $0x0  }
0x159: {  	[sflag:s0] =	ssyncadd.s32 $0xFFFFE000  }
0x15a: {  	_ =	swait.ge [sflag:s0], $0x2000  }
0x15b: {  	[sflag:s0] =	ssyncset.done $0x0  }
0x15c: {  	[sflag:s0] =	ssyncadd.s32 $0xFFFFE000  }
0x15d: {  	_ =	swait.ge [sflag:s0], $0x2000  }
0x15e: {  	[sflag:s0] =	ssyncset.done $0x0  }
0x15f: {  	[sflag:s0] =	ssyncadd.s32 $0xFFFFE000  }
0x160: {  	_ =	swait.ge [sflag:s0], $0x2000  }
0x161: {  	[sflag:s0] =	ssyncset.done $0x0  }
0x162: {  	[sflag:s0] =	ssyncadd.s32 $0xFFFFE000  }
0x163: {  	v1 =	vld [tilespmem:s24+$0xFFFFFFFD]  }
0x164: {  	v2 =	vld [tilespmem:s26+$0xFFFFFFFD];
	_ =	sdelay $0x3  }
0x165: {  	(v2sf) =	vpush v1, $0x0  }
0x166: {  	(v2sf) =	vpush v2, $0x0;
	_ =	sdelay $0xc  }
0x167: {  	s10 =	sadd.s32 $0x4, s24  }
0x168: {  	s6 =	sadd.s32 $0x4, s26;
	v1 =	vld [tilespmem:s10+$0xFFFFFFFD];
	s4 =	spop (v2sf)  }
0x169: {  	v2 =	vld [tilespmem:s6+$0xFFFFFFFD];
	s0 =	sshrl.u32 s4, $0x3;
	s2 =	spop (v2sf)  }
0x16a: {  	s0 =	smul.u32 $0xC3800, s0;
	s2 =	sshll.u32 s2, $0x3  }
0x16b: {  	s2 =	sand.u32 $0x7FFFFC00, s2  }
0x16c: {  	s0 =	sadd.s32 s0, s2  }
0x16d: {  	(v2sf) =	vpush v1, $0x0;
	s0 =	sshrl.u32 s0, $0x3  }
0x16e: {  	s5 =	simm.s32 $0x8900;
	(v2sf) =	vpush v2, $0x0;
	s0 =	sadd.s32 s1, s0  }
0x16f: {  	[tilespmem:s5], [sflag:$0x2] =	stream.linear.gather [hbm4b:s0+s3], $0x400, $0x38;
	[tilespmem:$0x12F00] =	vst v63  }
0x170: {  	v1 =	vld [tilespmem:s24+$0xFFFFFFFE]  }
0x171: {  	v2 =	vld [tilespmem:s26+$0xFFFFFFFE];
	_ =	sdelay $0x3  }
0x172: {  	(v2sf) =	vpush v1, $0x0  }
0x173: {  	(v2sf) =	vpush v2, $0x0;
	_ =	sdelay $0x4  }
0x174: {  	s0 =	sadd.s32 $0x4, s10  }
0x175: {  	s7 =	spop (v2sf);
	s5 =	sadd.s32 $0x4, s6;
	v1 =	vld [tilespmem:s0+$0xFFFFFFFD]  }
0x176: {  	s8 =	sshrl.u32 s7, $0x3;
	s4 =	spop (v2sf);
	v2 =	vld [tilespmem:s5+$0xFFFFFFFD]  }
0x177: {  	s2 =	smul.u32 $0xC3800, s8;
	s4 =	sshll.u32 s4, $0x3  }
0x178: {  	s4 =	sand.u32 $0x7FFFFC00, s4  }
0x179: {  	s2 =	sadd.s32 s2, s4  }
0x17a: {  	s2 =	sshrl.u32 s2, $0x3;
	(v2sf) =	vpush v1, $0x0  }
0x17b: {  	s9 =	simm.s32 $0x9900;
	s2 =	sadd.s32 s1, s2;
	(v2sf) =	vpush v2, $0x0  }
0x17c: {  	[tilespmem:s9], [sflag:$0x2] =	stream.linear.gather [hbm4b:s2+s3], $0x400, $0x38;
	[tilespmem:$0x12F00] =	vst v63  }
0x17d: {  	v1 =	vld [tilespmem:s10+$0xFFFFFFFE];
	s7 =	spop (v2sf)  }
0x17e: {  	v2 =	vld [tilespmem:s6+$0xFFFFFFFE];
	s11 =	sshrl.u32 s7, $0x3;
	s12 =	spop (v2sf)  }
0x17f: {  	s2 =	smul.u32 $0xC3800, s11;
	s4 =	sshll.u32 s12, $0x3  }
0x180: {  	s4 =	sand.u32 $0x7FFFFC00, s4  }
0x181: {  	s2 =	sadd.s32 s2, s4  }
0x182: {  	(v2sf) =	vpush v1, $0x0;
	s2 =	sshrl.u32 s2, $0x3  }
0x183: {  	s13 =	simm.s32 $0x8D00;
	(v2sf) =	vpush v2, $0x0;
	s2 =	sadd.s32 s1, s2  }
0x184: {  	[tilespmem:s13], [sflag:$0x2] =	stream.linear.gather [hbm4b:s2+s3], $0x400, $0x38;
	[tilespmem:$0x12F00] =	vst v63  }
0x185: {  	v1 =	vld [tilespmem:s24+$0xFFFFFFFF]  }
0x186: {  	v2 =	vld [tilespmem:s26+$0xFFFFFFFF];
	_ =	sdelay $0x2  }
0x187: {  	s14 =	spop (v2sf)  }
0x188: {  	s15 =	sshrl.u32 s14, $0x3;
	s18 =	spop (v2sf);
	s2 =	sadd.s32 $0x4, s0;
	(v2sf) =	vpush v1, $0x0  }
0x189: {  	s8 =	smul.u32 $0xC3800, s15;
	s19 =	sshll.u32 s18, $0x3;
	v1 =	vld [tilespmem:s2+$0xFFFFFFFD];
	(v2sf) =	vpush v2, $0x0  }
0x18a: {  	s4 =	sadd.s32 $0x4, s5;
	s7 =	sand.u32 $0x7FFFFC00, s19  }
0x18b: {  	s7 =	sadd.s32 s8, s7;
	v2 =	vld [tilespmem:s4+$0xFFFFFFFD]  }
0x18c: {  	s7 =	sshrl.u32 s7, $0x3  }
0x18d: {  	s20 =	simm.s32 $0xA900;
	s7 =	sadd.s32 s1, s7  }
0x18e: {  	[tilespmem:s20], [sflag:$0x2] =	stream.linear.gather [hbm4b:s7+s3], $0x400, $0x38;
	(v2sf) =	vpush v1, $0x0;
	[tilespmem:$0x12F00] =	vst v63  }
0x18f: {  	s9 =	spop (v2sf)  }
0x190: {  	s9 =	sshrl.u32 s9, $0x3;
	s11 =	spop (v2sf);
	(v2sf) =	vpush v2, $0x0  }
0x191: {  	s21 =	smul.u32 $0xC3800, s9;
	s22 =	sshll.u32 s11, $0x3  }
0x192: {  	v1 =	vld [tilespmem:s0+$0xFFFFFFFE];
	s8 =	sand.u32 $0x7FFFFC00, s22  }
0x193: {  	s7 =	sadd.s32 s21, s8  }
0x194: {  	v2 =	vld [tilespmem:s5+$0xFFFFFFFE];
	s7 =	sshrl.u32 s7, $0x3  }
0x195: {  	s28 =	simm.s32 $0x9D00;
	s7 =	sadd.s32 s1, s7  }
0x196: {  	[tilespmem:s28], [sflag:$0x2] =	stream.linear.gather [hbm4b:s7+s3], $0x400, $0x38;
	[tilespmem:$0x12F00] =	vst v63  }
0x197: {  	(v2sf) =	vpush v1, $0x0;
	s29 =	spop (v2sf)  }
0x198: {  	v1 =	vld [tilespmem:s10+$0xFFFFFFFF];
	s30 =	sshrl.u32 s29, $0x3;
	s31 =	spop (v2sf)  }
0x199: {  	(v2sf) =	vpush v2, $0x0;
	v2 =	vld [tilespmem:s6+$0xFFFFFFFF];
	s7 =	smul.u32 $0xC3800, s30;
	s8 =	sshll.u32 s31, $0x3  }
0x19a: {  	s8 =	sand.u32 $0x7FFFFC00, s8  }
0x19b: {  	s7 =	sadd.s32 s7, s8  }
0x19c: {  	s7 =	sshrl.u32 s7, $0x3  }
0x19d: {  	s9 =	simm.s32 $0x9100;
	(v2sf) =	vpush v1, $0x0;
	s11 =	spop (v2sf);
	s7 =	sadd.s32 s1, s7  }
0x19e: {  	(v2sf) =	vpush v2, $0x0;
	[tilespmem:s9], [sflag:$0x2] =	stream.linear.gather [hbm4b:s7+s3], $0x400, $0x38;
	[tilespmem:$0x12F00] =	vst v63  }
0x19f: {  	s12 =	spop (v2sf);
	s7 =	sshrl.u32 s11, $0x3  }
0x1a0: {  	s8 =	sshll.u32 s12, $0x3;
	s7 =	smul.u32 $0xC3800, s7  }
0x1a1: {  	s8 =	sand.u32 $0x7FFFFC00, s8  }
0x1a2: {  	v1 =	vld [tilespmem:s24+$0x0];
	s7 =	sadd.s32 s7, s8  }
0x1a3: {  	v2 =	vld [tilespmem:s26+$0x0];
	s7 =	sshrl.u32 s7, $0x3  }
0x1a4: {  	s13 =	simm.s32 $0xB900;
	s7 =	sadd.s32 s1, s7  }
0x1a5: {  	[tilespmem:s13], [sflag:$0x2] =	stream.linear.gather [hbm4b:s7+s3], $0x400, $0x38;
	[tilespmem:$0x12F00] =	vst v63  }
0x1a6: {  	s14 =	spop (v2sf);
	s7 =	sadd.s32 $0x4, s2  }
0x1a7: {  	s9 =	sshrl.u32 s14, $0x3;
	s14 =	sadd.s32 $0x4, s4;
	(v2sf) =	vpush v1, $0x0;
	v1 =	vld [tilespmem:s7+$0xFFFFFFFD]  }
0x1a8: {  	(v2sf) =	vpush v2, $0x0;
	v2 =	vld [tilespmem:s14+$0xFFFFFFFD]  }
0x1a9: {  	s15 =	spop (v2sf)  }
0x1aa: {  	s18 =	smul.u32 $0xC3800, s9;
	s19 =	sshll.u32 s15, $0x3  }
0x1ab: {  	s20 =	sand.u32 $0x7FFFFC00, s19  }
0x1ac: {  	s8 =	sadd.s32 s18, s20;
	s22 =	spop (v2sf);
	(v2sf) =	vpush v1, $0x0  }
0x1ad: {  	v3 =	vld [tilespmem:s2+$0xFFFFFFFE];
	s8 =	sshrl.u32 s8, $0x3;
	s12 =	spop (v2sf);
	(v2sf) =	vpush v2, $0x0  }
0x1ae: {  	s21 =	simm.s32 $0xAD00;
	v4 =	vld [tilespmem:s4+$0xFFFFFFFE];
	s8 =	sadd.s32 s1, s8;
	s11 =	sshrl.u32 s22, $0x3  }
0x1af: {  	[tilespmem:s21], [sflag:$0x2] =	stream.linear.gather [hbm4b:s8+s3], $0x400, $0x38;
	[tilespmem:$0x12F00] =	vst v63  }
0x1b0: {  	s24 =	smul.u32 $0xC3800, s11;
	s26 =	sshll.u32 s12, $0x3  }
0x1b1: {  	s28 =	sand.u32 $0x7FFFFC00, s26  }
0x1b2: {  	v5 =	vld [tilespmem:s0+$0xFFFFFFFF];
	s11 =	sadd.s32 s24, s28;
	(v2sf) =	vpush v3, $0x0  }
0x1b3: {  	s29 =	simm.s32 $0xA100;
	s9 =	simm.s32 $0xA500;
	v1 =	vld [tilespmem:s5+$0xFFFFFFFF];
	s11 =	sshrl.u32 s11, $0x3;
	(v2sf) =	vpush v4, $0x0  }
0x1b4: {  	s15 =	simm.s32 $0xC500;
	s13 =	simm.s32 $0x9500;
	s11 =	sadd.s32 s1, s11  }
0x1b5: {  	[tilespmem:s29], [sflag:$0x2] =	stream.linear.gather [hbm4b:s11+s3], $0x400, $0x38;
	[tilespmem:$0x12F00] =	vst v63  }
0x1b6: {  	s18 =	simm.s32 $0x10;
	s8 =	simm.s32 $0xB500;
	s19 =	spop (v2sf)  }
0x1b7: {  	s12 =	smov.u32 s14;
	s30 =	sshrl.u32 s19, $0x3;
	s31 =	spop (v2sf);
	(v2sf) =	vpush v5, $0x0  }
0x1b8: {  	(v2sf) =	vpush v1, $0x0;
	v1 =	vld [tilespmem:s10+$0x0];
	s11 =	smul.u32 $0xC3800, s30;
	s20 =	sshll.u32 s31, $0x3;
	s10 =	simm.s32 $0xC500  }
.LBB2_6:
0x1b9: {  	s18 =	sadd.s32 $0x4, s18;
	s20 =	sand.u32 $0x7FFFFC00, s20  }
0x1ba: {  	v2 =	vld [tilespmem:s6+$0x0];
	s19 =	smov.u32 s2;
	s2 =	smov.u32 s7;
	s6 =	smov.u32 s5  }
0x1bb: {  	s7 =	sadd.s32 $0x4, s7;
	s5 =	spop (v2sf);
	s11 =	sadd.s32 s11, s20  }
0x1bc: {  	s5 =	sshrl.u32 s5, $0x3;
	s20 =	spop (v2sf);
	s11 =	sshrl.u32 s11, $0x3  }
0x1bd: {  	s5 =	smul.u32 $0xC3800, s5;
	s20 =	sshll.u32 s20, $0x3;
	s11 =	sadd.s32 s1, s11  }
0x1be: {  	s14 =	sadd.s32 $0x4, s14;
	p0 =	slt.u32 s18, $0x1C;
	v3 =	vld [tilespmem:s7+$0xFFFFFFFD];
	s20 =	sand.u32 $0x7FFFFC00, s20;
	(v2sf) =	vpush v1, $0x0  }
0x1bf: {  	v1 =	vld [tilespmem:s14+$0xFFFFFFFD];
	(v2sf) =	vpush v2, $0x0;
	[tilespmem:s13], [sflag:$0x2] =	stream.linear.gather [hbm4b:s11+s3], $0x400, $0x38  }
0x1c0: {  	s15 =	sadd.s32 $0x1000, s15;
	s11 =	sadd.s32 s5, s20;
	s5 =	smov.u32 s4  }
0x1c1: {  	s4 =	sadd.s32 $0xFFFFF400, s15;
	s11 =	sshrl.u32 s11, $0x3;
	s13 =	spop (v2sf)  }
0x1c2: {  	s11 =	sadd.s32 s1, s11;
	s13 =	sshrl.u32 s13, $0x3;
	s20 =	spop (v2sf)  }
0x1c3: {  	(v2sf) =	vpush v3, $0x0;
	[tilespmem:s4], [sflag:$0x2] =	stream.linear.gather [hbm4b:s11+s3], $0x400, $0x38;
	[tilespmem:$0x12F00] =	vst v63  }
0x1c4: {  	s11 =	smul.u32 $0xC3800, s13;
	s13 =	sshll.u32 s20, $0x3;
	s4 =	smov.u32 s12;
	(v2sf) =	vpush v1, $0x0;
	v1 =	vld [tilespmem:s2+$0xFFFFFFFE]  }
0x1c5: {  	s12 =	smov.u32 s14;
	s20 =	sand.u32 $0x7FFFFC00, s13;
	s13 =	smov.u32 s9;
	v2 =	vld [tilespmem:s4+$0xFFFFFFFE]  }
0x1c6: {  	s9 =	smov.u32 s8;
	s8 =	smov.u32 s10;
	s11 =	sadd.s32 s11, s20  }
0x1c7: {  	s10 =	sadd.s32 $0xFFFFF800, s8;
	s11 =	sshrl.u32 s11, $0x3;
	s20 =	spop (v2sf)  }
0x1c8: {  	s11 =	sadd.s32 s1, s11;
	s20 =	sshrl.u32 s20, $0x3;
	s21 =	spop (v2sf)  }
0x1c9: {  	(v2sf) =	vpush v1, $0x0;
	[tilespmem:s10], [sflag:$0x2] =	stream.linear.gather [hbm4b:s11+s3], $0x400, $0x38;
	[tilespmem:$0x12F00] =	vst v63  }
0x1ca: {  	s11 =	smul.u32 $0xC3800, s20;
	s20 =	sshll.u32 s21, $0x3;
	s10 =	smov.u32 s15;
	(v2sf) =	vpush v2, $0x0;
	v1 =	vld [tilespmem:s19+$0xFFFFFFFF]  }
0x1cb: {  	s20 =	sand.u32 $0x7FFFFC00, s20;
	v2 =	vld [tilespmem:s5+$0xFFFFFFFF]  }
.Ltmp4:
0x1cc: {  	s11 =	sadd.s32 s11, s20;
	(pc) =	sbr.rel @p0 .LBB2_6-.Ltmp4, $4  }
0x1cd: {  	s20 =	sadd.s32 $0xFFFFFC00, s9;
	s11 =	sshrl.u32 s11, $0x3;
	s21 =	spop (v2sf)  }
0x1ce: {  	s11 =	sadd.s32 s1, s11;
	s21 =	sshrl.u32 s21, $0x3;
	s22 =	spop (v2sf)  }
0x1cf: {  	(v2sf) =	vpush v1, $0x0;
	[tilespmem:s20], [sflag:$0x2] =	stream.linear.gather [hbm4b:s11+s3], $0x400, $0x38;
	[tilespmem:$0x12F00] =	vst v63  }
0x1d0: {  	s11 =	smul.u32 $0xC3800, s21;
	s20 =	sshll.u32 s22, $0x3;
	(v2sf) =	vpush v2, $0x0;
	v1 =	vld [tilespmem:s0+$0x0];
	s0 =	smov.u32 s19  }
0x1d1: {  	_ = 	snop  }
0x1d2: {  	s14 =	spop (v2sf)  }
0x1d3: {  	s14 =	sshrl.u32 s14, $0x3;
	s18 =	spop (v2sf)  }
0x1d4: {  	s14 =	smul.u32 $0xC3800, s14;
	s18 =	sshll.u32 s18, $0x3  }
0x1d5: {  	s18 =	sand.u32 $0x7FFFFC00, s18  }
0x1d6: {  	s18 =	sadd.s32 s14, s18  }
0x1d7: {  	s14 =	sadd.s32 $0x1000, s15;
	s19 =	sshrl.u32 s18, $0x3  }
0x1d8: {  	v2 =	vld [tilespmem:s6+$0x0];
	s21 =	sadd.s32 $0xFFFFF400, s14;
	s15 =	sadd.s32 s1, s19  }
0x1d9: {  	[tilespmem:s21], [sflag:$0x2] =	stream.linear.gather [hbm4b:s15+s3], $0x400, $0x38;
	[tilespmem:$0x12F00] =	vst v63  }
0x1da: {  	v3 =	vld [tilespmem:s7+$0xFFFFFFFE]  }
0x1db: {  	v4 =	vld [tilespmem:s12+$0xFFFFFFFE]  }
0x1dc: {  	(v2sf) =	vpush v1, $0x0  }
0x1dd: {  	(v2sf) =	vpush v2, $0x0;
	_ =	sdelay $0x1  }
0x1de: {  	(v2sf) =	vpush v3, $0x0  }
0x1df: {  	s22 =	spop (v2sf);
	(v2sf) =	vpush v4, $0x0  }
0x1e0: {  	s6 =	sshrl.u32 s22, $0x3;
	s24 =	spop (v2sf)  }
0x1e1: {  	s6 =	smul.u32 $0xC3800, s6;
	s15 =	sshll.u32 s24, $0x3  }
0x1e2: {  	s15 =	sand.u32 $0x7FFFFC00, s15  }
0x1e3: {  	s6 =	sadd.s32 s6, s15  }
0x1e4: {  	s26 =	sadd.s32 $0xFFFFF800, s10;
	s6 =	sshrl.u32 s6, $0x3;
	s21 =	spop (v2sf)  }
0x1e5: {  	s6 =	sadd.s32 s1, s6;
	s18 =	sshrl.u32 s21, $0x3;
	s19 =	spop (v2sf)  }
0x1e6: {  	[tilespmem:s26], [sflag:$0x2] =	stream.linear.gather [hbm4b:s6+s3], $0x400, $0x38;
	[tilespmem:$0x12F00] =	vst v63  }
0x1e7: {  	s22 =	smul.u32 $0xC3800, s18;
	s24 =	sshll.u32 s19, $0x3  }
0x1e8: {  	s15 =	sand.u32 $0x7FFFFC00, s24  }
0x1e9: {  	s6 =	sadd.s32 s22, s15  }
0x1ea: {  	s6 =	sshrl.u32 s6, $0x3;
	s15 =	spop (v2sf)  }
0x1eb: {  	s26 =	sadd.s32 $0xFFFFFC00, s8;
	s6 =	sadd.s32 s1, s6;
	s19 =	spop (v2sf)  }
0x1ec: {  	v1 =	vld [tilespmem:s2+$0xFFFFFFFF];
	[tilespmem:s26], [sflag:$0x2] =	stream.linear.gather [hbm4b:s6+s3], $0x400, $0x38  }
0x1ed: {  	s18 =	spop (v2sf)  }
0x1ee: {  	v2 =	vld [tilespmem:s4+$0xFFFFFFFF];
	s6 =	sshrl.u32 s18, $0x3;
	s21 =	spop (v2sf)  }
0x1ef: {  	s6 =	smul.u32 $0xC3800, s6;
	s18 =	sshll.u32 s21, $0x3  }
0x1f0: {  	s18 =	sand.u32 $0x7FFFFC00, s18  }
0x1f1: {  	(v2sf) =	vpush v1, $0x0;
	s6 =	sadd.s32 s6, s18  }
0x1f2: {  	v1 =	vld [tilespmem:s0+$0x0];
	s22 =	sshrl.u32 s6, $0x3  }
0x1f3: {  	s24 =	sadd.s32 $0xFFFFF800, s14;
	(v2sf) =	vpush v2, $0x0;
	v2 =	vld [tilespmem:s5+$0x0];
	s0 =	sadd.s32 s1, s22  }
0x1f4: {  	[tilespmem:s24], [sflag:$0x2] =	stream.linear.gather [hbm4b:s0+s3], $0x400, $0x38;
	[tilespmem:$0x12F00] =	vst v63  }
0x1f5: {  	v3 =	vld [tilespmem:s7+$0xFFFFFFFF]  }
0x1f6: {  	v60 =	vld [tilespmem:s12+$0xFFFFFFFF]  }
0x1f7: {  	(v2sf) =	vpush v1, $0x0  }
0x1f8: {  	(v2sf) =	vpush v2, $0x0;
	_ =	sdelay $0x1  }
0x1f9: {  	(v2sf) =	vpush v3, $0x0  }
0x1fa: {  	(v2sf) =	vpush v60, $0x0;
	_ =	sdelay $0x1  }
0x1fb: {  	s26 =	sand.u32 $0x7FFFFC00, s20  }
0x1fc: {  	s0 =	sadd.s32 s11, s26  }
0x1fd: {  	s0 =	sshrl.u32 s0, $0x3  }
0x1fe: {  	s5 =	spop (v2sf);
	s0 =	sadd.s32 s1, s0  }
0x1ff: {  	[tilespmem:s13], [sflag:$0x2] =	stream.linear.gather [hbm4b:s0+s3], $0x400, $0x38;
	[tilespmem:$0x12F00] =	vst v63  }
0x200: {  	s6 =	spop (v2sf);
	s0 =	sshrl.u32 s5, $0x3  }
0x201: {  	s5 =	sshll.u32 s6, $0x3;
	s0 =	smul.u32 $0xC3800, s0  }
0x202: {  	s5 =	sand.u32 $0x7FFFFC00, s5  }
0x203: {  	s0 =	sadd.s32 s0, s5  }
0x204: {  	s5 =	spop (v2sf);
	s0 =	sshrl.u32 s0, $0x3  }
0x205: {  	s11 =	sadd.s32 $0xFFFFFC00, s10;
	s13 =	spop (v2sf);
	s0 =	sadd.s32 s1, s0  }
0x206: {  	[tilespmem:s11], [sflag:$0x2] =	stream.linear.gather [hbm4b:s0+s3], $0x400, $0x38;
	[tilespmem:$0x12F00] =	vst v63  }
0x207: {  	v1 =	vld [tilespmem:s2+$0x0];
	s18 =	spop (v2sf)  }
0x208: {  	v2 =	vld [tilespmem:s4+$0x0];
	s0 =	sshrl.u32 s18, $0x3;
	s20 =	spop (v2sf)  }
0x209: {  	s0 =	smul.u32 $0xC3800, s0;
	s2 =	sshll.u32 s20, $0x3  }
0x20a: {  	s2 =	sand.u32 $0x7FFFFC00, s2  }
0x20b: {  	s0 =	sadd.s32 s0, s2  }
0x20c: {  	(v2sf) =	vpush v1, $0x0;
	s0 =	sshrl.u32 s0, $0x3  }
0x20d: {  	s21 =	sshrl.u32 s15, $0x3;
	s26 =	sadd.s32 $0xFFFFFC00, s14;
	(v2sf) =	vpush v2, $0x0;
	s0 =	sadd.s32 s1, s0  }
0x20e: {  	[tilespmem:s26], [sflag:$0x2] =	stream.linear.gather [hbm4b:s0+s3], $0x400, $0x38;
	[tilespmem:$0x12F00] =	vst v63  }
0x20f: {  	s22 =	smul.u32 $0xC3800, s21;
	s24 =	sshll.u32 s19, $0x3;
	v1 =	vld [tilespmem:s7+$0x0]  }
0x210: {  	s4 =	sand.u32 $0x7FFFFC00, s24;
	v2 =	vld [tilespmem:s12+$0x0]  }
0x211: {  	s0 =	sadd.s32 s22, s4  }
0x212: {  	s0 =	sshrl.u32 s0, $0x3  }
0x213: {  	s6 =	sshrl.u32 s5, $0x3;
	s0 =	sadd.s32 s1, s0  }
0x214: {  	[tilespmem:s9], [sflag:$0x2] =	stream.linear.gather [hbm4b:s0+s3], $0x400, $0x38;
	(v2sf) =	vpush v1, $0x0;
	[tilespmem:$0x12F00] =	vst v63  }
0x215: {  	s7 =	sshll.u32 s13, $0x3;
	s0 =	smul.u32 $0xC3800, s6;
	(v2sf) =	vpush v2, $0x0  }
0x216: {  	s2 =	sand.u32 $0x7FFFFC00, s7  }
0x217: {  	s0 =	sadd.s32 s0, s2  }
0x218: {  	s0 =	sshrl.u32 s0, $0x3  }
0x219: {  	s0 =	sadd.s32 s1, s0  }
0x21a: {  	[tilespmem:s8], [sflag:$0x2] =	stream.linear.gather [hbm4b:s0+s3], $0x400, $0x38;
	[tilespmem:$0x12F00] =	vst v63  }
0x21b: {  	s8 =	spop (v2sf)  }
0x21c: {  	s0 =	sshrl.u32 s8, $0x3;
	s9 =	spop (v2sf)  }
0x21d: {  	s0 =	smul.u32 $0xC3800, s0;
	s2 =	sshll.u32 s9, $0x3  }
0x21e: {  	s2 =	sand.u32 $0x7FFFFC00, s2  }
0x21f: {  	s0 =	sadd.s32 s0, s2  }
0x220: {  	s0 =	sshrl.u32 s0, $0x3  }
0x221: {  	s0 =	sadd.s32 s1, s0  }
0x222: {  	[tilespmem:s10], [sflag:$0x2] =	stream.linear.gather [hbm4b:s0+s3], $0x400, $0x38;
	[tilespmem:$0x12F00] =	vst v63  }
0x223: {  	s11 =	spop (v2sf)  }
0x224: {  	s0 =	sshrl.u32 s11, $0x3;
	s12 =	spop (v2sf)  }
0x225: {  	s0 =	smul.u32 $0xC3800, s0;
	s2 =	sshll.u32 s12, $0x3  }
0x226: {  	s2 =	sand.u32 $0x7FFFFC00, s2  }
0x227: {  	s0 =	sadd.s32 s0, s2  }
0x228: {  	s0 =	sshrl.u32 s0, $0x3  }
0x229: {  	s0 =	sadd.s32 s1, s0  }
0x22a: {  	[tilespmem:s14], [sflag:$0x2] =	stream.linear.gather [hbm4b:s0+s3], $0x400, $0x38;
	[tilespmem:$0x12F00] =	vst v63  }
0x22b: {  	v1 =	vld [tilespmem:s23+$0xFFFFFFFE]  }
0x22c: {  	v2 =	vld [tilespmem:s16+$0xFFFFFFFE];
	_ =	sdelay $0x3  }
0x22d: {  	(v2sf) =	vpush v1, $0x0  }
0x22e: {  	(v2sf) =	vpush v2, $0x0;
	_ =	sdelay $0xa  }
0x22f: {  	s6 =	sadd.s32 $0x4, s23  }
0x230: {  	s5 =	sadd.s32 $0x4, s16;
	v1 =	vld [tilespmem:s6+$0xFFFFFFFE]  }
0x231: {  	v2 =	vld [tilespmem:s5+$0xFFFFFFFE]  }
0x232: {  	s13 =	spop (v2sf)  }
0x233: {  	s14 =	spop (v2sf)  }
0x234: {  	s0 =	sand.u32 $0x7F, s13;
	s2 =	sand.u32 $0x7, s14  }
0x235: {  	(v2sf) =	vpush v1, $0x0;
	s0 =	sshll.u32 s0, $0x2;
	s2 =	sshll.u32 s2, $0x9  }
0x236: {  	(v2sf) =	vpush v2, $0x0;
	s0 =	sor.u32 s0, s2  }
0x237: {  	s0 =	sshrl.u32 s0, $0x2  }
0x238: {  	s0 =	sadd.s32 $0x500, s0  }
0x239: {  	v1 =	vld [tilespmem:s0+$0x0];
	_ =	sdelay $0x4  }
0x23a: {  	[tilespmem:s25+$0xFFFFFFE0] =	vst v1  }
0x23b: {  	v1 =	vld [tilespmem:s23+$0xFFFFFFFF]  }
0x23c: {  	v2 =	vld [tilespmem:s16+$0xFFFFFFFF];
	_ =	sdelay $0x2  }
0x23d: {  	s2 =	sadd.s32 $0x4, s6  }
0x23e: {  	s28 =	sadd.s32 $0x4, s5;
	v3 =	vld [tilespmem:s2+$0xFFFFFFFE];
	s15 =	spop (v2sf);
	(v2sf) =	vpush v1, $0x0  }
0x23f: {  	s18 =	spop (v2sf);
	v1 =	vld [tilespmem:s28+$0xFFFFFFFE];
	(v2sf) =	vpush v2, $0x0  }
0x240: {  	s0 =	sand.u32 $0x7F, s15;
	s4 =	sand.u32 $0x7, s18  }
0x241: {  	s0 =	sshll.u32 s0, $0x2;
	s4 =	sshll.u32 s4, $0x9  }
0x242: {  	s0 =	sor.u32 s0, s4  }
0x243: {  	s0 =	sshrl.u32 s0, $0x2;
	(v2sf) =	vpush v3, $0x0  }
0x244: {  	s0 =	sadd.s32 $0x1500, s0;
	(v2sf) =	vpush v1, $0x0  }
0x245: {  	v1 =	vld [tilespmem:s0+$0x0];
	_ =	sdelay $0x3  }
0x246: {  	s21 =	sadd.s32 $0x40, s25  }
0x247: {  	[tilespmem:s21+$0xFFFFFFE0] =	vst v1  }
0x248: {  	v1 =	vld [tilespmem:s6+$0xFFFFFFFF]  }
0x249: {  	v2 =	vld [tilespmem:s5+$0xFFFFFFFF]  }
0x24a: {  	s19 =	spop (v2sf)  }
0x24b: {  	s20 =	spop (v2sf);
	s0 =	sand.u32 $0x7F, s19  }
0x24c: {  	s19 =	smov.u32 s25;
	s25 =	sadd.s32 $0x4, s2;
	s4 =	sand.u32 $0x7, s20  }
0x24d: {  	s24 =	sadd.s32 $0x4, s28;
	(v2sf) =	vpush v1, $0x0;
	s0 =	sshll.u32 s0, $0x2;
	v3 =	vld [tilespmem:s25+$0xFFFFFFFE];
	s4 =	sshll.u32 s4, $0x9  }
0x24e: {  	v1 =	vld [tilespmem:s24+$0xFFFFFFFE];
	(v2sf) =	vpush v2, $0x0;
	s0 =	sor.u32 s0, s4  }
0x24f: {  	s22 =	spop (v2sf);
	s0 =	sshrl.u32 s0, $0x2  }
0x250: {  	s26 =	spop (v2sf);
	s0 =	sadd.s32 $0x500, s0  }
0x251: {  	s4 =	sand.u32 $0x7F, s22;
	s7 =	sand.u32 $0x7, s26;
	v2 =	vld [tilespmem:s0+$0x400]  }
0x252: {  	s4 =	sshll.u32 s4, $0x2;
	s0 =	sshll.u32 s7, $0x9;
	(v2sf) =	vpush v3, $0x0  }
0x253: {  	s0 =	sor.u32 s4, s0;
	(v2sf) =	vpush v1, $0x0  }
0x254: {  	s0 =	sshrl.u32 s0, $0x2  }
0x255: {  	s0 =	sadd.s32 $0x2500, s0  }
0x256: {  	v1 =	vld [tilespmem:s0+$0x0];
	[tilespmem:s19+$0xFFFFFFF0] =	vst v2  }
0x257: {  	v2 =	vld [tilespmem:s23+$0x0]  }
0x258: {  	v3 =	vld [tilespmem:s16+$0x0];
	_ =	sdelay $0x1  }
0x259: {  	s22 =	sadd.s32 $0x40, s21  }
0x25a: {  	[tilespmem:s22+$0xFFFFFFE0] =	vst v1  }
0x25b: {  	s8 =	spop (v2sf);
	v1 =	vld [tilespmem:s2+$0xFFFFFFFF];
	(v2sf) =	vpush v2, $0x0  }
0x25c: {  	s9 =	spop (v2sf);
	v2 =	vld [tilespmem:s28+$0xFFFFFFFF];
	(v2sf) =	vpush v3, $0x0  }
0x25d: {  	s0 =	sand.u32 $0x7F, s8;
	s4 =	sand.u32 $0x7, s9  }
0x25e: {  	s0 =	sshll.u32 s0, $0x2;
	s4 =	sshll.u32 s4, $0x9  }
0x25f: {  	s0 =	sor.u32 s0, s4  }
0x260: {  	s0 =	sshrl.u32 s0, $0x2;
	(v2sf) =	vpush v1, $0x0;
	s10 =	spop (v2sf)  }
0x261: {  	s0 =	sadd.s32 $0x1500, s0;
	(v2sf) =	vpush v2, $0x0;
	s11 =	spop (v2sf)  }
0x262: {  	s4 =	sand.u32 $0x7F, s10;
	v1 =	vld [tilespmem:s0+$0x400];
	s12 =	sand.u32 $0x7, s11  }
0x263: {  	s26 =	sadd.s32 $0x4, s25;
	s4 =	sshll.u32 s4, $0x2;
	s0 =	sshll.u32 s12, $0x9  }
0x264: {  	s31 =	sadd.s32 $0x4, s24;
	v2 =	vld [tilespmem:s26+$0xFFFFFFFE];
	s0 =	sor.u32 s4, s0  }
0x265: {  	v3 =	vld [tilespmem:s31+$0xFFFFFFFE];
	s0 =	sshrl.u32 s0, $0x2  }
0x266: {  	s0 =	sadd.s32 $0x3500, s0  }
0x267: {  	[tilespmem:s21+$0xFFFFFFF0] =	vst v1;
	v1 =	vld [tilespmem:s0+$0x0];
	_ =	sdelay $0x1  }
0x268: {  	(v2sf) =	vpush v2, $0x0;
	v2 =	vld [tilespmem:s6+$0x0]  }
0x269: {  	s13 =	spop (v2sf);
	(v2sf) =	vpush v3, $0x0;
	v3 =	vld [tilespmem:s5+$0x0]  }
0x26a: {  	s15 =	smov.u32 s23;
	s23 =	sadd.s32 $0x40, s22;
	s14 =	spop (v2sf)  }
0x26b: {  	s0 =	sand.u32 $0x7F, s13;
	[tilespmem:s23+$0xFFFFFFE0] =	vst v1;
	s4 =	sand.u32 $0x7, s14  }
0x26c: {  	s0 =	sshll.u32 s0, $0x2;
	v1 =	vld [tilespmem:s25+$0xFFFFFFFF];
	s4 =	sshll.u32 s4, $0x9  }
0x26d: {  	s29 =	sadd.s32 $0x4, s26;
	(v2sf) =	vpush v2, $0x0;
	s0 =	sor.u32 s0, s4  }
0x26e: {  	v61 =	vld [tilespmem:s29+$0xFFFFFFFE];
	s18 =	spop (v2sf);
	s0 =	sshrl.u32 s0, $0x2;
	(v2sf) =	vpush v3, $0x0  }
0x26f: {  	v2 =	vld [tilespmem:s24+$0xFFFFFFFF];
	s20 =	spop (v2sf);
	s0 =	sadd.s32 $0x500, s0  }
0x270: {  	s30 =	sadd.s32 $0x4, s31;
	s4 =	sand.u32 $0x7F, s18;
	s7 =	sand.u32 $0x7, s20;
	v3 =	vld [tilespmem:s0+$0x800]  }
0x271: {  	s4 =	sshll.u32 s4, $0x2;
	s7 =	sshll.u32 s7, $0x9;
	(v2sf) =	vpush v1, $0x0;
	v1 =	vld [tilespmem:s30+$0xFFFFFFFE]  }
0x272: {  	s0 =	sor.u32 s4, s7  }
0x273: {  	s0 =	sshrl.u32 s0, $0x2  }
0x274: {  	(v2sf) =	vpush v2, $0x0;
	s0 =	sadd.s32 $0x2500, s0  }
0x275: {  	(v2sf) =	vpush v61, $0x0;
	v2 =	vld [tilespmem:s0+$0x400]  }
0x276: {  	[tilespmem:s19+$0x0] =	vst v3;
	(v2sf) =	vpush v1, $0x0  }
0x277: {  	s9 =	spop (v2sf);
	v3 =	vld [tilespmem:s15+$0x1]  }
0x278: {  	v5 =	vld [tilespmem:s16+$0x1];
	s10 =	spop (v2sf)  }
0x279: {  	s0 =	sand.u32 $0x7F, s9;
	s4 =	sand.u32 $0x7, s10  }
0x27a: {  	s0 =	sshll.u32 s0, $0x2;
	[tilespmem:s22+$0xFFFFFFF0] =	vst v2;
	s4 =	sshll.u32 s4, $0x9  }
0x27b: {  	v1 =	vld [tilespmem:s2+$0x0];
	s0 =	sor.u32 s0, s4  }
0x27c: {  	s11 =	spop (v2sf);
	(v2sf) =	vpush v3, $0x0;
	s0 =	sshrl.u32 s0, $0x2  }
0x27d: {  	(v2sf) =	vpush v5, $0x0;
	s0 =	sadd.s32 $0x4500, s0;
	s12 =	spop (v2sf)  }
0x27e: {  	s13 =	sand.u32 $0x7F, s11;
	v2 =	vld [tilespmem:s0+$0x0];
	s14 =	sand.u32 $0x7, s12  }
0x27f: {  	s0 =	sshll.u32 s13, $0x2;
	s4 =	sshll.u32 s14, $0x9  }
0x280: {  	(v2sf) =	vpush v1, $0x0;
	v1 =	vld [tilespmem:s28+$0x0];
	s0 =	sor.u32 s0, s4  }
0x281: {  	s0 =	sshrl.u32 s0, $0x2  }
0x282: {  	s13 =	sadd.s32 $0x40, s23;
	s15 =	spop (v2sf);
	s0 =	sadd.s32 $0x1500, s0  }
0x283: {  	s16 =	spop (v2sf);
	[tilespmem:s13+$0xFFFFFFE0] =	vst v2;
	v2 =	vld [tilespmem:s0+$0x800]  }
0x284: {  	s20 =	spop (v2sf);
	v3 =	vld [tilespmem:s26+$0xFFFFFFFF]  }
0x285: {  	s4 =	sand.u32 $0x7F, s15;
	s7 =	sand.u32 $0x7, s16;
	v62 =	vld [tilespmem:s31+$0xFFFFFFFF];
	s16 =	spop (v2sf);
	(v2sf) =	vpush v1, $0x0  }
0x286: {  	s4 =	sshll.u32 s4, $0x2;
	s18 =	sshll.u32 s7, $0x9  }
0x287: {  	s8 =	sadd.s32 $0x4, s30;
	s10 =	simm.s32 $0x3500;
	s0 =	sor.u32 s4, s18  }
0x288: {  	v6 =	vld [tilespmem:s8+$0xFFFFFFFE];
	s12 =	simm.s32 $0x1500;
	s7 =	sadd.s32 $0x4, s29;
	s0 =	sshrl.u32 s0, $0x2  }
0x289: {  	s14 =	simm.s32 $0x500;
	s9 =	sand.u32 $0x7F, s20;
	v63 =	vld [tilespmem:s7+$0xFFFFFFFE];
	s15 =	sadd.s32 $0x3500, s0;
	(v2sf) =	vpush v3, $0x0  }
0x28a: {  	s4 =	simm.s32 $0x2500;
	s9 =	sshll.u32 s9, $0x2;
	s20 =	sand.u32 $0x7, s16;
	[tilespmem:s21+$0x0] =	vst v2;
	v2 =	vld [tilespmem:s15+$0x400];
	(v2sf) =	vpush v62, $0x0  }
0x28b: {  	s0 =	simm.s32 $0x4500;
	s11 =	sshll.u32 s20, $0x9;
	v7 =	vld [tilespmem:s6+$0x1];
	s6 =	spop (v2sf)  }
0x28c: {  	s9 =	sor.u32 s9, s11;
	s15 =	simm.s32 $0x18;
	s16 =	spop (v2sf)  }
0x28d: {  	s20 =	sshrl.u32 s9, $0x2;
	v1 =	vld [tilespmem:s5+$0x1];
	s6 =	sand.u32 $0x7F, s6;
	s18 =	sand.u32 $0x7, s16  }
0x28e: {  	s9 =	simm.s32 $0x5500;
	(v2sf) =	vpush v63, $0x0;
	s6 =	sshll.u32 s6, $0x2;
	s18 =	sshll.u32 s18, $0x9  }
0x28f: {  	s11 =	sadd.s32 $0x5500, s20;
	s5 =	smov.u32 s13;
	(v2sf) =	vpush v6, $0x0;
	[tilespmem:s23+$0xFFFFFFF0] =	vst v2;
	s6 =	sor.u32 s6, s18  }
0x290: {  	v2 =	vld [tilespmem:s25+$0x0];
	s20 =	spop (v2sf);
	(v2sf) =	vpush v7, $0x0;
	s18 =	sshrl.u32 s6, $0x2;
	s6 =	smov.u32 s19  }
.LBB2_8:
0x291: {  	s15 =	sadd.s32 $0x4, s15;
	s14 =	sadd.s32 s18, s14;
	s19 =	smov.u32 s26  }
0x292: {  	v3 =	vld [tilespmem:s11+$0x0];
	(v2sf) =	vpush v1, $0x0;
	s26 =	smov.u32 s29;
	s29 =	smov.u32 s7;
	s11 =	smov.u32 s28  }
0x293: {  	s28 =	smov.u32 s24;
	s24 =	smov.u32 s31;
	p0 =	slt.u32 s15, $0x1C;
	v1 =	vld [tilespmem:s14+$0xC00]  }
0x294: {  	s31 =	smov.u32 s30;
	s30 =	smov.u32 s8;
	v4 =	vld [tilespmem:s28+$0x0];
	s14 =	spop (v2sf)  }
0x295: {  	s13 =	sadd.s32 $0x40, s13;
	s18 =	sand.u32 $0x7F, s20;
	s14 =	sand.u32 $0x7, s14  }
0x296: {  	s18 =	sshll.u32 s18, $0x2;
	(v2sf) =	vpush v2, $0x0;
	s20 =	sshll.u32 s14, $0x9;
	s14 =	smov.u32 s12  }
0x297: {  	s12 =	smov.u32 s4;
	s4 =	smov.u32 s10;
	[tilespmem:s13+$0xFFFFFFE0] =	vst v3;
	s18 =	sor.u32 s18, s20  }
0x298: {  	v2 =	vld [tilespmem:s26+$0xFFFFFFFF];
	s10 =	spop (v2sf);
	s18 =	sshrl.u32 s18, $0x2;
	[tilespmem:s6+$0x10] =	vst v1;
	s6 =	smov.u32 s21  }
0x299: {  	v1 =	vld [tilespmem:s31+$0xFFFFFFFF];
	s10 =	sand.u32 $0x7F, s10;
	s20 =	spop (v2sf);
	(v2sf) =	vpush v4, $0x0;
	s18 =	sadd.s32 s18, s12  }
0x29a: {  	s21 =	smov.u32 s22;
	s22 =	smov.u32 s23;
	s20 =	sand.u32 $0x7, s20;
	v3 =	vld [tilespmem:s18+$0x800]  }
0x29b: {  	s23 =	smov.u32 s5;
	s10 =	sshll.u32 s10, $0x2;
	s18 =	sshll.u32 s20, $0x9  }
0x29c: {  	s7 =	sadd.s32 $0x4, s7;
	s5 =	smov.u32 s13;
	s10 =	sor.u32 s10, s18  }
0x29d: {  	s8 =	sadd.s32 $0x4, s8;
	v4 =	vld [tilespmem:s7+$0xFFFFFFFE];
	s18 =	spop (v2sf);
	(v2sf) =	vpush v2, $0x0;
	s10 =	sshrl.u32 s10, $0x2  }
0x29e: {  	v2 =	vld [tilespmem:s8+$0xFFFFFFFE];
	s18 =	sand.u32 $0x7F, s18;
	(v2sf) =	vpush v1, $0x0;
	s20 =	sadd.s32 s10, s0;
	s10 =	smov.u32 s0  }
0x29f: {  	s16 =	spop (v2sf)  }
0x2a0: {  	s0 =	smov.u32 s9;
	v5 =	vld [tilespmem:s20+$0x400];
	[tilespmem:s21+$0x0] =	vst v3;
	s16 =	sand.u32 $0x7, s16  }
0x2a1: {  	s18 =	sshll.u32 s18, $0x2;
	v3 =	vld [tilespmem:s2+$0x1];
	s2 =	spop (v2sf);
	s16 =	sshll.u32 s16, $0x9  }
.Ltmp5:
0x2a2: {  	v1 =	vld [tilespmem:s11+$0x1];
	s2 =	sand.u32 $0x7F, s2;
	s11 =	spop (v2sf);
	(pc) =	sbr.rel @p0 .LBB2_8-.Ltmp5, $4  }
0x2a3: {  	(v2sf) =	vpush v4, $0x0;
	s16 =	sor.u32 s18, s16;
	s11 =	sand.u32 $0x7, s11;
	s2 =	sshll.u32 s2, $0x2  }
0x2a4: {  	s9 =	sadd.s32 $0x1000, s9;
	s16 =	sshrl.u32 s16, $0x2;
	s18 =	sshll.u32 s11, $0x9  }
0x2a5: {  	(v2sf) =	vpush v2, $0x0;
	s11 =	sadd.s32 s16, s9;
	[tilespmem:s23+$0xFFFFFFF0] =	vst v5;
	s16 =	sor.u32 s2, s18;
	s2 =	smov.u32 s25  }
0x2a6: {  	s25 =	smov.u32 s19;
	v2 =	vld [tilespmem:s19+$0x0];
	s20 =	spop (v2sf);
	(v2sf) =	vpush v3, $0x0;
	s18 =	sshrl.u32 s16, $0x2  }
0x2a7: {  	_ =	sdelay $0x6  }
0x2a8: {  	s15 =	spop (v2sf)  }
0x2a9: {  	s19 =	sand.u32 $0x7F, s20;
	s15 =	sand.u32 $0x7, s15  }
0x2aa: {  	s19 =	sshll.u32 s19, $0x2;
	s15 =	sshll.u32 s15, $0x9;
	s16 =	spop (v2sf)  }
0x2ab: {  	s13 =	sadd.s32 $0x40, s13;
	s19 =	sor.u32 s19, s15;
	s20 =	spop (v2sf)  }
0x2ac: {  	v3 =	vld [tilespmem:s11+$0x0];
	s11 =	sshrl.u32 s19, $0x2;
	s16 =	sand.u32 $0x7F, s16;
	s20 =	sand.u32 $0x7, s20  }
0x2ad: {  	s16 =	sshll.u32 s16, $0x2;
	s20 =	sshll.u32 s20, $0x9;
	s19 =	spop (v2sf)  }
0x2ae: {  	s11 =	sadd.s32 s11, s4;
	s15 =	sor.u32 s16, s20;
	s20 =	spop (v2sf)  }
0x2af: {  	v4 =	vld [tilespmem:s11+$0x800];
	s15 =	sshrl.u32 s15, $0x2;
	s16 =	sand.u32 $0x7F, s19;
	s20 =	sand.u32 $0x7, s20  }
0x2b0: {  	v5 =	vld [tilespmem:s24+$0x0];
	s11 =	sadd.s32 s15, s0;
	s15 =	sshll.u32 s16, $0x2;
	s16 =	sshll.u32 s20, $0x9  }
0x2b1: {  	[tilespmem:s13+$0xFFFFFFE0] =	vst v3;
	v3 =	vld [tilespmem:s11+$0x400];
	s15 =	sor.u32 s15, s16  }
0x2b2: {  	v6 =	vld [tilespmem:s29+$0xFFFFFFFF];
	s19 =	sadd.s32 $0x1000, s9;
	s11 =	sshrl.u32 s15, $0x2  }
0x2b3: {  	v7 =	vld [tilespmem:s30+$0xFFFFFFFF];
	s11 =	sadd.s32 s11, s19  }
0x2b4: {  	[tilespmem:s22+$0x0] =	vst v4;
	v57 =	vld [tilespmem:s11+$0x0]  }
0x2b5: {  	(v2sf) =	vpush v1, $0x0;
	v1 =	vld [tilespmem:s2+$0x1]  }
0x2b6: {  	(v2sf) =	vpush v2, $0x0;
	v2 =	vld [tilespmem:s28+$0x1];
	[tilespmem:s5+$0xFFFFFFF0] =	vst v3  }
0x2b7: {  	(v2sf) =	vpush v5, $0x0;
	v3 =	vld [tilespmem:s26+$0x0]  }
0x2b8: {  	(v2sf) =	vpush v6, $0x0;
	s15 =	sadd.s32 $0x40, s13;
	v58 =	vld [tilespmem:s31+$0x0]  }
0x2b9: {  	(v2sf) =	vpush v7, $0x0;
	[tilespmem:s15+$0xFFFFFFE0] =	vst v57  }
0x2ba: {  	(v2sf) =	vpush v1, $0x0;
	v1 =	vld [tilespmem:s7+$0xFFFFFFFF]  }
0x2bb: {  	(v2sf) =	vpush v2, $0x0;
	v2 =	vld [tilespmem:s8+$0xFFFFFFFF]  }
0x2bc: {  	(v2sf) =	vpush v3, $0x0  }
0x2bd: {  	(v2sf) =	vpush v58, $0x0;
	_ =	sdelay $0x1  }
0x2be: {  	(v2sf) =	vpush v1, $0x0  }
0x2bf: {  	(v2sf) =	vpush v2, $0x0;
	_ =	sdelay $0x2  }
0x2c0: {  	s16 =	spop (v2sf)  }
0x2c1: {  	s20 =	spop (v2sf)  }
0x2c2: {  	[dreg:$0x11] =	wrdreg s16;
	s2 =	spop (v2sf)  }
0x2c3: {  	s28 =	smov.u32 s13;
	[dreg:$0x12] =	wrdreg s20;
	s13 =	spop (v2sf)  }
0x2c4: {  	s11 =	sand.u32 $0x7F, s2;
	s16 =	sand.u32 $0x7, s13;
	s20 =	spop (v2sf)  }
0x2c5: {  	s11 =	sshll.u32 s11, $0x2;
	s16 =	sshll.u32 s16, $0x9;
	s2 =	spop (v2sf)  }
0x2c6: {  	s20 =	sand.u32 $0x7F, s20;
	s13 =	sor.u32 s11, s16;
	s16 =	spop (v2sf)  }
0x2c7: {  	s2 =	sand.u32 $0x7, s2;
	[dreg:$0x14] =	wrdreg s16;
	s16 =	spop (v2sf)  }
0x2c8: {  	s20 =	sshll.u32 s20, $0x2;
	s2 =	sshll.u32 s2, $0x9;
	s11 =	spop (v2sf)  }
0x2c9: {  	s13 =	sshrl.u32 s13, $0x2;
	s2 =	sor.u32 s20, s2;
	s20 =	spop (v2sf)  }
0x2ca: {  	s13 =	sadd.s32 s13, s10;
	s11 =	sand.u32 $0x7F, s11;
	s20 =	sand.u32 $0x7, s20  }
0x2cb: {  	v1 =	vld [tilespmem:s13+$0x800];
	s11 =	sshll.u32 s11, $0x2;
	s13 =	sshll.u32 s20, $0x9;
	s20 =	spop (v2sf)  }
0x2cc: {  	s2 =	sshrl.u32 s2, $0x2;
	s11 =	sor.u32 s11, s13;
	s13 =	spop (v2sf)  }
0x2cd: {  	s2 =	sadd.s32 s2, s9;
	s20 =	sand.u32 $0x7F, s20;
	s13 =	sand.u32 $0x7, s13  }
0x2ce: {  	v2 =	vld [tilespmem:s2+$0x400];
	s2 =	sshrl.u32 s11, $0x2;
	s20 =	sshll.u32 s20, $0x2;
	s13 =	sshll.u32 s13, $0x9  }
0x2cf: {  	s2 =	sadd.s32 s2, s0;
	s11 =	sor.u32 s20, s13  }
0x2d0: {  	[tilespmem:s23+$0x0] =	vst v1;
	v3 =	vld [tilespmem:s2+$0x800];
	s13 =	sshrl.u32 s11, $0x2  }
0x2d1: {  	v1 =	vld [tilespmem:s25+$0x1];
	s2 =	sadd.s32 s13, s19  }
0x2d2: {  	v4 =	vld [tilespmem:s2+$0x400]  }
0x2d3: {  	v59 =	vld [tilespmem:s24+$0x1];
	[tilespmem:s28+$0xFFFFFFF0] =	vst v2  }
0x2d4: {  	v2 =	vld [tilespmem:s29+$0x0]  }
0x2d5: {  	v60 =	vld [tilespmem:s30+$0x0];
	[tilespmem:s5+$0x0] =	vst v3  }
0x2d6: {  	v3 =	vld [tilespmem:s26+$0x1]  }
0x2d7: {  	(v2sf) =	vpush v1, $0x0;
	v1 =	vld [tilespmem:s31+$0x1];
	[tilespmem:s15+$0xFFFFFFF0] =	vst v4  }
0x2d8: {  	(v2sf) =	vpush v59, $0x0;
	v4 =	vld [tilespmem:s7+$0x0]  }
0x2d9: {  	(v2sf) =	vpush v2, $0x0;
	v2 =	vld [tilespmem:s8+$0x0]  }
0x2da: {  	(v2sf) =	vpush v60, $0x0  }
0x2db: {  	(v2sf) =	vpush v3, $0x0  }
0x2dc: {  	(v2sf) =	vpush v1, $0x0  }
0x2dd: {  	(v2sf) =	vpush v4, $0x0  }
0x2de: {  	(v2sf) =	vpush v2, $0x0;
	_ =	sdelay $0x7  }
0x2df: {  	s2 =	spop (v2sf)  }
0x2e0: {  	s11 =	spop (v2sf)  }
0x2e1: {  	s20 =	spop (v2sf)  }
0x2e2: {  	s26 =	spop (v2sf)  }
0x2e3: {  	s24 =	spop (v2sf)  }
0x2e4: {  	s13 =	sand.u32 $0x7F, s20;
	s20 =	sand.u32 $0x7, s26;
	s25 =	spop (v2sf)  }
0x2e5: {  	s13 =	sshll.u32 s13, $0x2;
	s20 =	sshll.u32 s20, $0x9;
	s26 =	spop (v2sf)  }
0x2e6: {  	s13 =	sor.u32 s13, s20;
	s31 =	spop (v2sf)  }
0x2e7: {  	s13 =	sshrl.u32 s13, $0x2;
	s20 =	sand.u32 $0x7F, s26;
	s31 =	sand.u32 $0x7, s31  }
0x2e8: {  	s13 =	sadd.s32 s13, s9;
	s20 =	sshll.u32 s20, $0x2;
	s26 =	sshll.u32 s31, $0x9  }
0x2e9: {  	v1 =	vld [tilespmem:s13+$0x800];
	s20 =	sor.u32 s20, s26  }
0x2ea: {  	s26 =	sshrl.u32 s20, $0x2  }
0x2eb: {  	s13 =	sadd.s32 s26, s19  }
0x2ec: {  	v2 =	vld [tilespmem:s13+$0x800];
	_ =	sdelay $0x1  }
0x2ed: {  	[tilespmem:s28+$0x0] =	vst v1  }
0x2ee: {  	v1 =	vld [tilespmem:s29+$0x1]  }
0x2ef: {  	v3 =	vld [tilespmem:s30+$0x1]  }
0x2f0: {  	[tilespmem:s15+$0x0] =	vst v2  }
0x2f1: {  	v2 =	vld [tilespmem:s7+$0x1]  }
0x2f2: {  	v61 =	vld [tilespmem:s8+$0x1]  }
0x2f3: {  	(v2sf) =	vpush v1, $0x0  }
0x2f4: {  	(v2sf) =	vpush v3, $0x0;
	_ =	sdelay $0x1  }
0x2f5: {  	(v2sf) =	vpush v2, $0x0  }
0x2f6: {  	(v2sf) =	vpush v61, $0x0;
	_ =	sdelay $0x1  }
0x2f7: {  	s2 =	sand.u32 $0x7F, s2;
	s11 =	sand.u32 $0x7, s11  }
0x2f8: {  	s2 =	sshll.u32 s2, $0x2;
	s11 =	sshll.u32 s11, $0x9  }
0x2f9: {  	s2 =	sor.u32 s2, s11  }
0x2fa: {  	s16 =	sand.u32 $0x7, s16;
	s2 =	sshrl.u32 s2, $0x2;
	s29 =	rddreg [dreg:$0x11]  }
0x2fb: {  	s2 =	sadd.s32 s2, s10;
	s31 =	sadd.s32 s18, s14;
	s30 =	rddreg [dreg:$0x12]  }
0x2fc: {  	s20 =	sand.u32 $0x7F, s24;
	s7 =	sand.u32 $0x7F, s29;
	s8 =	sand.u32 $0x7, s30  }
0x2fd: {  	s14 =	rddreg [dreg:$0x14];
	s7 =	sshll.u32 s7, $0x2;
	s8 =	sshll.u32 s8, $0x9  }
0x2fe: {  	s24 =	sand.u32 $0x7, s25;
	s7 =	sor.u32 s7, s8;
	s8 =	sand.u32 $0x7F, s14  }
0x2ff: {  	s11 =	sshll.u32 s24, $0x9;
	s14 =	sshll.u32 s16, $0x9;
	s8 =	sshll.u32 s8, $0x2  }
0x300: {  	s7 =	sshrl.u32 s7, $0x2;
	s8 =	sor.u32 s8, s14;
	s25 =	spop (v2sf)  }
0x301: {  	s7 =	sadd.s32 s7, s12;
	s8 =	sshrl.u32 s8, $0x2;
	s26 =	spop (v2sf)  }
0x302: {  	s29 =	sand.u32 $0x7F, s25;
	s18 =	sadd.s32 s8, s4;
	s8 =	sshll.u32 s20, $0x2  }
0x303: {  	v62 =	vld [tilespmem:s2+$0xC00];
	s10 =	sand.u32 $0x7, s26;
	s8 =	sor.u32 s8, s11;
	s30 =	spop (v2sf)  }
0x304: {  	v1 =	vld [tilespmem:s31+$0xC00];
	s11 =	sshll.u32 s29, $0x2;
	s10 =	sshll.u32 s10, $0x9;
	s31 =	spop (v2sf)  }
0x305: {  	v2 =	vld [tilespmem:s7+$0xC00];
	s8 =	sshrl.u32 s8, $0x2;
	s12 =	sand.u32 $0x7F, s30;
	s14 =	sand.u32 $0x7, s31  }
0x306: {  	v3 =	vld [tilespmem:s18+$0xC00];
	s16 =	sor.u32 s11, s10;
	s18 =	sshll.u32 s12, $0x2;
	s20 =	sshll.u32 s14, $0x9  }
0x307: {  	s24 =	sadd.s32 s8, s0;
	s25 =	sshrl.u32 s16, $0x2;
	s26 =	sor.u32 s18, s20  }
0x308: {  	v63 =	vld [tilespmem:s24+$0xC00];
	s29 =	sadd.s32 s25, s9;
	s30 =	sshrl.u32 s26, $0x2  }
0x309: {  	[tilespmem:s6+$0x10] =	vst v1;
	v1 =	vld [tilespmem:s29+$0xC00];
	s31 =	sadd.s32 s30, s19  }
0x30a: {  	[tilespmem:s21+$0x10] =	vst v2;
	v2 =	vld [tilespmem:s31+$0xC00]  }
.Ltmp6:
0x30b: {  	[tilespmem:s23+$0x10] =	vst v62;
	(pc) =	sbr.rel .LBB2_17-.Ltmp6, $4  }
0x30c: {  	[tilespmem:s22+$0x10] =	vst v3  }
0x30d: {  	[tilespmem:s5+$0x10] =	vst v63  }
0x30e: {  	[tilespmem:s28+$0x10] =	vst v1  }
0x30f: {  	[tilespmem:s15+$0x10] =	vst v2  }
.LBB2_10:
0x310: {  	s0 =	simm.s32 $0x2  }
0x311: {  	_ =	swait.ge [sflag:s0], $0x2000  }
0x312: {  	[sflag:s0] =	ssyncset.done $0x0  }
0x313: {  	[sflag:s0] =	ssyncadd.s32 $0xFFFFE000  }
0x314: {  	_ =	swait.ge [sflag:s0], $0x2000  }
0x315: {  	[sflag:s0] =	ssyncset.done $0x0  }
0x316: {  	[sflag:s0] =	ssyncadd.s32 $0xFFFFE000  }
0x317: {  	p0 =	seq.s32 s17, $0xF;
	_ =	swait.ge [sflag:s0], $0x2000  }
.Ltmp7:
0x318: {  	[sflag:s0] =	ssyncset.done $0x0;
	(pc) =	sbr.rel @p0 .LBB2_14-.Ltmp7, $4  }
0x319: {  	[sflag:s0] =	ssyncadd.s32 $0xFFFFE000  }
0x31a: {  	_ =	swait.ge [sflag:s0], $0x2000  }
0x31b: {  	[sflag:s0] =	ssyncset.done $0x0  }
0x31c: {  	[sflag:s0] =	ssyncadd.s32 $0xFFFFE000;
	s0 =	simm.s32 $0x1E0  }
0x31d: {  	v1 =	vld [tilespmem:s24+$0xFFFFFFFD]  }
0x31e: {  	v2 =	vld [tilespmem:s26+$0xFFFFFFFD];
	_ =	sdelay $0x3  }
0x31f: {  	(v2sf) =	vpush v1, $0x0  }
0x320: {  	(v2sf) =	vpush v2, $0x0;
	_ =	sdelay $0x7  }
0x321: {  	s9 =	sadd.s32 $0x4, s24  }
0x322: {  	s10 =	sadd.s32 $0x4, s26;
	v1 =	vld [tilespmem:s9+$0xFFFFFFFD]  }
0x323: {  	v2 =	vld [tilespmem:s10+$0xFFFFFFFD];
	_ =	sdelay $0x3  }
0x324: {  	(v2sf) =	vpush v1, $0x0;
	s0 =	spop (v2sf)  }
0x325: {  	(v2sf) =	vpush v2, $0x0;
	s0 =	sshrl.u32 s0, $0x3;
	s2 =	spop (v2sf)  }
0x326: {  	s0 =	smul.u32 $0xC3800, s0;
	s2 =	sshll.u32 s2, $0x3  }
0x327: {  	s2 =	sand.u32 $0x7FFFFC00, s2  }
0x328: {  	s0 =	sadd.s32 s0, s2  }
0x329: {  	s0 =	sshrl.u32 s0, $0x3  }
0x32a: {  	s18 =	simm.s32 $0x500;
	s0 =	sadd.s32 s1, s0  }
0x32b: {  	[tilespmem:s18], [sflag:$0x1] =	stream.linear.gather [hbm4b:s0+s3], $0x400, $0x38;
	[tilespmem:$0x12F00] =	vst v63  }
0x32c: {  	v1 =	vld [tilespmem:s24+$0xFFFFFFFE]  }
0x32d: {  	v2 =	vld [tilespmem:s26+$0xFFFFFFFE];
	_ =	sdelay $0x3  }
0x32e: {  	(v2sf) =	vpush v1, $0x0  }
0x32f: {  	(v2sf) =	vpush v2, $0x0  }
0x330: {  	s19 =	spop (v2sf)  }
0x331: {  	s20 =	spop (v2sf)  }
0x332: {  	s4 =	sadd.s32 $0x4, s9;
	s2 =	sshll.u32 s20, $0x3  }
0x333: {  	s5 =	sand.u32 $0x7FFFFC00, s2;
	s2 =	sadd.s32 $0x4, s10;
	v1 =	vld [tilespmem:s4+$0xFFFFFFFD]  }
0x334: {  	s0 =	sshrl.u32 s19, $0x3;
	v2 =	vld [tilespmem:s2+$0xFFFFFFFD]  }
0x335: {  	s0 =	smul.u32 $0xC3800, s0;
	_ =	sdelay $0x1  }
0x336: {  	s0 =	sadd.s32 s0, s5  }
0x337: {  	s0 =	sshrl.u32 s0, $0x3;
	(v2sf) =	vpush v1, $0x0  }
0x338: {  	s21 =	simm.s32 $0x1500;
	s0 =	sadd.s32 s1, s0;
	(v2sf) =	vpush v2, $0x0  }
0x339: {  	[tilespmem:s21], [sflag:$0x1] =	stream.linear.gather [hbm4b:s0+s3], $0x400, $0x38;
	[tilespmem:$0x12F00] =	vst v63  }
0x33a: {  	v1 =	vld [tilespmem:s9+$0xFFFFFFFE]  }
0x33b: {  	v2 =	vld [tilespmem:s10+$0xFFFFFFFE]  }
0x33c: {  	s6 =	spop (v2sf)  }
0x33d: {  	s22 =	sshrl.u32 s6, $0x3;
	s23 =	spop (v2sf)  }
0x33e: {  	s0 =	smul.u32 $0xC3800, s22;
	s5 =	sshll.u32 s23, $0x3  }
0x33f: {  	(v2sf) =	vpush v1, $0x0;
	s5 =	sand.u32 $0x7FFFFC00, s5  }
0x340: {  	(v2sf) =	vpush v2, $0x0;
	s0 =	sadd.s32 s0, s5  }
0x341: {  	s0 =	sshrl.u32 s0, $0x3  }
0x342: {  	s25 =	simm.s32 $0x900;
	s0 =	sadd.s32 s1, s0  }
0x343: {  	[tilespmem:s25], [sflag:$0x1] =	stream.linear.gather [hbm4b:s0+s3], $0x400, $0x38;
	[tilespmem:$0x12F00] =	vst v63  }
0x344: {  	v1 =	vld [tilespmem:s24+$0xFFFFFFFF]  }
0x345: {  	v2 =	vld [tilespmem:s26+$0xFFFFFFFF]  }
0x346: {  	s28 =	spop (v2sf)  }
0x347: {  	s29 =	spop (v2sf);
	s0 =	sshrl.u32 s28, $0x3  }
0x348: {  	s5 =	sshll.u32 s29, $0x3;
	s0 =	smul.u32 $0xC3800, s0  }
0x349: {  	s7 =	sand.u32 $0x7FFFFC00, s5;
	(v2sf) =	vpush v1, $0x0  }
0x34a: {  	s0 =	sadd.s32 s0, s7;
	(v2sf) =	vpush v2, $0x0  }
0x34b: {  	s6 =	sadd.s32 $0x4, s4;
	s0 =	sshrl.u32 s0, $0x3  }
0x34c: {  	s30 =	simm.s32 $0x2500;
	s5 =	sadd.s32 $0x4, s2;
	s0 =	sadd.s32 s1, s0;
	v1 =	vld [tilespmem:s6+$0xFFFFFFFD]  }
0x34d: {  	[tilespmem:s30], [sflag:$0x1] =	stream.linear.gather [hbm4b:s0+s3], $0x400, $0x38;
	v2 =	vld [tilespmem:s5+$0xFFFFFFFD]  }
0x34e: {  	s8 =	spop (v2sf)  }
0x34f: {  	s8 =	sshrl.u32 s8, $0x3;
	s11 =	spop (v2sf)  }
0x350: {  	s31 =	smul.u32 $0xC3800, s8;
	s8 =	sshll.u32 s11, $0x3  }
0x351: {  	(v2sf) =	vpush v1, $0x0;
	v1 =	vld [tilespmem:s4+$0xFFFFFFFE];
	s7 =	sand.u32 $0x7FFFFC00, s8  }
0x352: {  	(v2sf) =	vpush v2, $0x0;
	v2 =	vld [tilespmem:s2+$0xFFFFFFFE];
	s0 =	sadd.s32 s31, s7  }
0x353: {  	s0 =	sshrl.u32 s0, $0x3  }
0x354: {  	s11 =	simm.s32 $0x1900;
	s0 =	sadd.s32 s1, s0  }
0x355: {  	[tilespmem:s11], [sflag:$0x1] =	stream.linear.gather [hbm4b:s0+s3], $0x400, $0x38;
	[tilespmem:$0x12F00] =	vst v63  }
0x356: {  	(v2sf) =	vpush v1, $0x0;
	v1 =	vld [tilespmem:s9+$0xFFFFFFFF]  }
0x357: {  	(v2sf) =	vpush v2, $0x0;
	v2 =	vld [tilespmem:s10+$0xFFFFFFFF]  }
0x358: {  	s12 =	spop (v2sf)  }
0x359: {  	s13 =	sshrl.u32 s12, $0x3;
	s14 =	spop (v2sf)  }
0x35a: {  	s0 =	smul.u32 $0xC3800, s13;
	s7 =	sshll.u32 s14, $0x3  }
0x35b: {  	(v2sf) =	vpush v1, $0x0;
	s7 =	sand.u32 $0x7FFFFC00, s7  }
0x35c: {  	(v2sf) =	vpush v2, $0x0;
	s0 =	sadd.s32 s0, s7  }
0x35d: {  	s0 =	sshrl.u32 s0, $0x3  }
0x35e: {  	s15 =	simm.s32 $0xD00;
	s0 =	sadd.s32 s1, s0  }
0x35f: {  	[tilespmem:s15], [sflag:$0x1] =	stream.linear.gather [hbm4b:s0+s3], $0x400, $0x38;
	[tilespmem:$0x12F00] =	vst v63  }
0x360: {  	v1 =	vld [tilespmem:s24+$0x0]  }
0x361: {  	v2 =	vld [tilespmem:s26+$0x0]  }
0x362: {  	s16 =	spop (v2sf)  }
0x363: {  	s18 =	spop (v2sf);
	s0 =	sshrl.u32 s16, $0x3  }
0x364: {  	s7 =	sshll.u32 s18, $0x3;
	s15 =	sadd.s32 $0x4, s6;
	s0 =	smul.u32 $0xC3800, s0  }
0x365: {  	s18 =	sadd.s32 $0x4, s5;
	s7 =	sand.u32 $0x7FFFFC00, s7;
	(v2sf) =	vpush v1, $0x0;
	v1 =	vld [tilespmem:s15+$0xFFFFFFFD]  }
0x366: {  	s19 =	simm.s32 $0x3500;
	s0 =	sadd.s32 s0, s7;
	s20 =	spop (v2sf);
	(v2sf) =	vpush v2, $0x0;
	v2 =	vld [tilespmem:s18+$0xFFFFFFFD]  }
0x367: {  	s0 =	sshrl.u32 s0, $0x3;
	s8 =	sshrl.u32 s20, $0x3;
	s21 =	spop (v2sf)  }
0x368: {  	s0 =	sadd.s32 s1, s0;
	s22 =	smul.u32 $0xC3800, s8;
	s23 =	sshll.u32 s21, $0x3  }
0x369: {  	[tilespmem:s19], [sflag:$0x1] =	stream.linear.gather [hbm4b:s0+s3], $0x400, $0x38;
	[tilespmem:$0x12F00] =	vst v63  }
0x36a: {  	s7 =	sand.u32 $0x7FFFFC00, s23;
	s25 =	spop (v2sf);
	(v2sf) =	vpush v1, $0x0  }
0x36b: {  	s0 =	sadd.s32 s22, s7;
	v3 =	vld [tilespmem:s6+$0xFFFFFFFE];
	s26 =	spop (v2sf);
	(v2sf) =	vpush v2, $0x0  }
0x36c: {  	v4 =	vld [tilespmem:s5+$0xFFFFFFFE];
	s0 =	sshrl.u32 s0, $0x3  }
0x36d: {  	s24 =	simm.s32 $0x2900;
	s0 =	sadd.s32 s1, s0;
	s8 =	sshrl.u32 s25, $0x3  }
0x36e: {  	[tilespmem:s24], [sflag:$0x1] =	stream.linear.gather [hbm4b:s0+s3], $0x400, $0x38;
	[tilespmem:$0x12F00] =	vst v63  }
0x36f: {  	s28 =	smul.u32 $0xC3800, s8;
	s29 =	sshll.u32 s26, $0x3  }
0x370: {  	s11 =	sand.u32 $0x7FFFFC00, s29;
	(v2sf) =	vpush v3, $0x0  }
0x371: {  	s12 =	simm.s32 $0x1D00;
	s14 =	simm.s32 $0x1100;
	v5 =	vld [tilespmem:s4+$0xFFFFFFFF];
	s11 =	sadd.s32 s28, s11;
	(v2sf) =	vpush v4, $0x0  }
0x372: {  	s21 =	simm.s32 $0x4100;
	s7 =	simm.s32 $0x3100;
	v1 =	vld [tilespmem:s2+$0xFFFFFFFF];
	s11 =	sshrl.u32 s11, $0x3  }
0x373: {  	s22 =	simm.s32 $0x10;
	s0 =	sshll.u32 s17, $0x5;
	s11 =	sadd.s32 s1, s11  }
0x374: {  	[tilespmem:s12], [sflag:$0x1] =	stream.linear.gather [hbm4b:s11+s3], $0x400, $0x38;
	[tilespmem:$0x12F00] =	vst v63  }
0x375: {  	s8 =	simm.s32 $0x2100;
	s12 =	smov.u32 s18;
	s13 =	spop (v2sf)  }
0x376: {  	s30 =	sshrl.u32 s13, $0x3;
	s31 =	spop (v2sf);
	(v2sf) =	vpush v5, $0x0;
	s13 =	smov.u32 s15  }
0x377: {  	(v2sf) =	vpush v1, $0x0;
	v1 =	vld [tilespmem:s9+$0x0];
	s11 =	smul.u32 $0xC3800, s30;
	s20 =	sshll.u32 s31, $0x3;
	s9 =	simm.s32 $0x4100  }
.LBB2_12:
0x378: {  	s22 =	sadd.s32 $0x4, s22;
	v2 =	vld [tilespmem:s10+$0x0];
	s10 =	sand.u32 $0x7FFFFC00, s20;
	s19 =	smov.u32 s6  }
0x379: {  	s15 =	sadd.s32 $0x4, s15;
	s6 =	spop (v2sf);
	s10 =	sadd.s32 s11, s10  }
0x37a: {  	s6 =	sshrl.u32 s6, $0x3;
	s11 =	spop (v2sf);
	s10 =	sshrl.u32 s10, $0x3  }
0x37b: {  	s6 =	smul.u32 $0xC3800, s6;
	s11 =	sshll.u32 s11, $0x3;
	s10 =	sadd.s32 s1, s10  }
0x37c: {  	s18 =	sadd.s32 $0x4, s18;
	p0 =	slt.u32 s22, $0x1C;
	v3 =	vld [tilespmem:s15+$0xFFFFFFFD];
	s11 =	sand.u32 $0x7FFFFC00, s11;
	(v2sf) =	vpush v1, $0x0  }
0x37d: {  	v1 =	vld [tilespmem:s18+$0xFFFFFFFD];
	(v2sf) =	vpush v2, $0x0;
	[tilespmem:s14], [sflag:$0x1] =	stream.linear.gather [hbm4b:s10+s3], $0x400, $0x38  }
0x37e: {  	s21 =	sadd.s32 $0x1000, s21;
	s10 =	sadd.s32 s6, s11;
	s6 =	smov.u32 s13  }
0x37f: {  	s11 =	sadd.s32 $0xFFFFF400, s21;
	s10 =	sshrl.u32 s10, $0x3;
	s13 =	spop (v2sf)  }
0x380: {  	s10 =	sadd.s32 s1, s10;
	s13 =	sshrl.u32 s13, $0x3;
	s14 =	spop (v2sf)  }
0x381: {  	(v2sf) =	vpush v3, $0x0;
	[tilespmem:s11], [sflag:$0x1] =	stream.linear.gather [hbm4b:s10+s3], $0x400, $0x38;
	[tilespmem:$0x12F00] =	vst v63  }
0x382: {  	s11 =	smul.u32 $0xC3800, s13;
	s10 =	sshll.u32 s14, $0x3;
	s13 =	smov.u32 s15;
	(v2sf) =	vpush v1, $0x0;
	v1 =	vld [tilespmem:s6+$0xFFFFFFFE]  }
0x383: {  	s14 =	sand.u32 $0x7FFFFC00, s10;
	s10 =	smov.u32 s2;
	s2 =	smov.u32 s5;
	v2 =	vld [tilespmem:s12+$0xFFFFFFFE]  }
0x384: {  	s5 =	smov.u32 s12;
	s11 =	sadd.s32 s11, s14;
	s12 =	smov.u32 s18  }
0x385: {  	s14 =	sadd.s32 $0xFFFFF800, s9;
	s11 =	sshrl.u32 s11, $0x3;
	s16 =	spop (v2sf)  }
0x386: {  	s11 =	sadd.s32 s1, s11;
	s16 =	sshrl.u32 s16, $0x3;
	s20 =	spop (v2sf)  }
0x387: {  	(v2sf) =	vpush v1, $0x0;
	[tilespmem:s14], [sflag:$0x1] =	stream.linear.gather [hbm4b:s11+s3], $0x400, $0x38;
	[tilespmem:$0x12F00] =	vst v63  }
0x388: {  	s11 =	smul.u32 $0xC3800, s16;
	s16 =	sshll.u32 s20, $0x3;
	s14 =	smov.u32 s8;
	(v2sf) =	vpush v2, $0x0;
	v1 =	vld [tilespmem:s19+$0xFFFFFFFF]  }
0x389: {  	s8 =	smov.u32 s7;
	s7 =	smov.u32 s9;
	s16 =	sand.u32 $0x7FFFFC00, s16;
	v2 =	vld [tilespmem:s2+$0xFFFFFFFF]  }
.Ltmp8:
0x38a: {  	s9 =	smov.u32 s21;
	s11 =	sadd.s32 s11, s16;
	(pc) =	sbr.rel @p0 .LBB2_12-.Ltmp8, $4  }
0x38b: {  	s16 =	sadd.s32 $0xFFFFFC00, s8;
	s11 =	sshrl.u32 s11, $0x3;
	s20 =	spop (v2sf)  }
0x38c: {  	s11 =	sadd.s32 s1, s11;
	s20 =	sshrl.u32 s20, $0x3;
	s23 =	spop (v2sf)  }
0x38d: {  	(v2sf) =	vpush v1, $0x0;
	[tilespmem:s16], [sflag:$0x1] =	stream.linear.gather [hbm4b:s11+s3], $0x400, $0x38;
	[tilespmem:$0x12F00] =	vst v63  }
0x38e: {  	s11 =	smul.u32 $0xC3800, s20;
	s20 =	sshll.u32 s23, $0x3;
	(v2sf) =	vpush v2, $0x0;
	v1 =	vld [tilespmem:s4+$0x0];
	s4 =	smov.u32 s19  }
0x38f: {  	_ = 	snop  }
0x390: {  	s15 =	spop (v2sf)  }
0x391: {  	s15 =	sshrl.u32 s15, $0x3;
	s16 =	spop (v2sf)  }
0x392: {  	s15 =	smul.u32 $0xC3800, s15;
	s16 =	sshll.u32 s16, $0x3  }
0x393: {  	s16 =	sand.u32 $0x7FFFFC00, s16  }
0x394: {  	s16 =	sadd.s32 s15, s16  }
0x395: {  	s15 =	sadd.s32 $0x1000, s21;
	s16 =	sshrl.u32 s16, $0x3  }
0x396: {  	v2 =	vld [tilespmem:s10+$0x0];
	s24 =	sadd.s32 $0xFFFFF400, s15;
	s16 =	sadd.s32 s1, s16  }
0x397: {  	[tilespmem:s24], [sflag:$0x1] =	stream.linear.gather [hbm4b:s16+s3], $0x400, $0x38;
	[tilespmem:$0x12F00] =	vst v63  }
0x398: {  	v3 =	vld [tilespmem:s13+$0xFFFFFFFE]  }
0x399: {  	v4 =	vld [tilespmem:s12+$0xFFFFFFFE]  }
0x39a: {  	(v2sf) =	vpush v1, $0x0  }
0x39b: {  	(v2sf) =	vpush v2, $0x0;
	_ =	sdelay $0x1  }
0x39c: {  	(v2sf) =	vpush v3, $0x0  }
0x39d: {  	s25 =	spop (v2sf);
	(v2sf) =	vpush v4, $0x0  }
0x39e: {  	s26 =	spop (v2sf);
	s10 =	sshrl.u32 s25, $0x3  }
0x39f: {  	s10 =	smul.u32 $0xC3800, s10;
	s16 =	sshll.u32 s26, $0x3  }
0x3a0: {  	s16 =	sand.u32 $0x7FFFFC00, s16  }
0x3a1: {  	s10 =	sadd.s32 s10, s16  }
0x3a2: {  	s28 =	sadd.s32 $0xFFFFF800, s9;
	s10 =	sshrl.u32 s10, $0x3;
	s18 =	spop (v2sf)  }
0x3a3: {  	s10 =	sadd.s32 s1, s10;
	s18 =	sshrl.u32 s18, $0x3;
	s19 =	spop (v2sf)  }
0x3a4: {  	[tilespmem:s28], [sflag:$0x1] =	stream.linear.gather [hbm4b:s10+s3], $0x400, $0x38;
	[tilespmem:$0x12F00] =	vst v63  }
0x3a5: {  	s29 =	smul.u32 $0xC3800, s18;
	s30 =	sshll.u32 s19, $0x3  }
0x3a6: {  	s16 =	sand.u32 $0x7FFFFC00, s30  }
0x3a7: {  	s10 =	sadd.s32 s29, s16  }
0x3a8: {  	s10 =	sshrl.u32 s10, $0x3;
	s16 =	spop (v2sf)  }
0x3a9: {  	s31 =	sadd.s32 $0xFFFFFC00, s7;
	v1 =	vld [tilespmem:s6+$0xFFFFFFFF];
	s10 =	sadd.s32 s1, s10;
	s19 =	spop (v2sf)  }
0x3aa: {  	v2 =	vld [tilespmem:s5+$0xFFFFFFFF];
	[tilespmem:s31], [sflag:$0x1] =	stream.linear.gather [hbm4b:s10+s3], $0x400, $0x38  }
0x3ab: {  	s21 =	spop (v2sf)  }
0x3ac: {  	s10 =	sshrl.u32 s21, $0x3;
	s22 =	spop (v2sf)  }
0x3ad: {  	s10 =	smul.u32 $0xC3800, s10;
	s18 =	sshll.u32 s22, $0x3  }
0x3ae: {  	(v2sf) =	vpush v1, $0x0;
	s18 =	sand.u32 $0x7FFFFC00, s18  }
0x3af: {  	(v2sf) =	vpush v2, $0x0;
	s10 =	sadd.s32 s10, s18  }
0x3b0: {  	s23 =	sshrl.u32 s10, $0x3  }
0x3b1: {  	s24 =	sadd.s32 $0xFFFFF800, s15;
	v3 =	vld [tilespmem:s4+$0x0];
	s4 =	sadd.s32 s1, s23  }
0x3b2: {  	v1 =	vld [tilespmem:s2+$0x0];
	[tilespmem:s24], [sflag:$0x1] =	stream.linear.gather [hbm4b:s4+s3], $0x400, $0x38  }
0x3b3: {  	v2 =	vld [tilespmem:s13+$0xFFFFFFFF]  }
0x3b4: {  	v63 =	vld [tilespmem:s12+$0xFFFFFFFF];
	_ =	sdelay $0x1  }
0x3b5: {  	(v2sf) =	vpush v3, $0x0  }
0x3b6: {  	(v2sf) =	vpush v1, $0x0  }
0x3b7: {  	s25 =	sand.u32 $0x7FFFFC00, s20;
	(v2sf) =	vpush v2, $0x0  }
0x3b8: {  	s2 =	sadd.s32 s11, s25;
	(v2sf) =	vpush v63, $0x0  }
0x3b9: {  	s2 =	sshrl.u32 s2, $0x3  }
0x3ba: {  	s2 =	sadd.s32 s1, s2  }
0x3bb: {  	[tilespmem:s14], [sflag:$0x1] =	stream.linear.gather [hbm4b:s2+s3], $0x400, $0x38;
	[tilespmem:$0x12F00] =	vst v63  }
0x3bc: {  	s26 =	spop (v2sf)  }
0x3bd: {  	s2 =	sshrl.u32 s26, $0x3;
	s28 =	spop (v2sf)  }
0x3be: {  	s2 =	smul.u32 $0xC3800, s2;
	s4 =	sshll.u32 s28, $0x3  }
0x3bf: {  	s4 =	sand.u32 $0x7FFFFC00, s4  }
0x3c0: {  	s2 =	sadd.s32 s2, s4  }
0x3c1: {  	s2 =	sshrl.u32 s2, $0x3  }
0x3c2: {  	s30 =	sadd.s32 $0xFFFFFC00, s9;
	s2 =	sadd.s32 s1, s2  }
0x3c3: {  	[tilespmem:s30], [sflag:$0x1] =	stream.linear.gather [hbm4b:s2+s3], $0x400, $0x38;
	[tilespmem:$0x12F00] =	vst v63  }
0x3c4: {  	s29 =	spop (v2sf)  }
0x3c5: {  	v1 =	vld [tilespmem:s6+$0x0];
	s31 =	spop (v2sf)  }
0x3c6: {  	s14 =	spop (v2sf)  }
0x3c7: {  	v2 =	vld [tilespmem:s5+$0x0];
	s2 =	sshrl.u32 s14, $0x3;
	s18 =	spop (v2sf)  }
0x3c8: {  	s2 =	smul.u32 $0xC3800, s2;
	s5 =	sshll.u32 s18, $0x3  }
0x3c9: {  	s5 =	sand.u32 $0x7FFFFC00, s5  }
0x3ca: {  	(v2sf) =	vpush v1, $0x0;
	s2 =	sadd.s32 s2, s5  }
0x3cb: {  	s2 =	sshrl.u32 s2, $0x3  }
0x3cc: {  	s23 =	sadd.s32 $0xFFFFFC00, s15;
	(v2sf) =	vpush v2, $0x0;
	s2 =	sadd.s32 s1, s2  }
0x3cd: {  	[tilespmem:s23], [sflag:$0x1] =	stream.linear.gather [hbm4b:s2+s3], $0x400, $0x38;
	[tilespmem:$0x12F00] =	vst v63  }
0x3ce: {  	s20 =	sshrl.u32 s16, $0x3;
	v1 =	vld [tilespmem:s13+$0x0]  }
0x3cf: {  	s21 =	smul.u32 $0xC3800, s20;
	s22 =	sshll.u32 s19, $0x3;
	v2 =	vld [tilespmem:s12+$0x0]  }
0x3d0: {  	s24 =	sand.u32 $0x7FFFFC00, s22  }
0x3d1: {  	s2 =	sadd.s32 s21, s24  }
0x3d2: {  	s2 =	sshrl.u32 s2, $0x3  }
0x3d3: {  	s25 =	sshrl.u32 s29, $0x3;
	s2 =	sadd.s32 s1, s2;
	(v2sf) =	vpush v1, $0x0  }
0x3d4: {  	[tilespmem:s8], [sflag:$0x1] =	stream.linear.gather [hbm4b:s2+s3], $0x400, $0x38;
	(v2sf) =	vpush v2, $0x0;
	[tilespmem:$0x12F00] =	vst v63  }
0x3d5: {  	s26 =	sshll.u32 s31, $0x3;
	s2 =	smul.u32 $0xC3800, s25  }
0x3d6: {  	s4 =	sand.u32 $0x7FFFFC00, s26  }
0x3d7: {  	s2 =	sadd.s32 s2, s4  }
0x3d8: {  	s2 =	sshrl.u32 s2, $0x3  }
0x3d9: {  	s28 =	spop (v2sf);
	s2 =	sadd.s32 s1, s2  }
0x3da: {  	[tilespmem:s7], [sflag:$0x1] =	stream.linear.gather [hbm4b:s2+s3], $0x400, $0x38;
	[tilespmem:$0x12F00] =	vst v63  }
0x3db: {  	s29 =	spop (v2sf);
	s2 =	sshrl.u32 s28, $0x3  }
0x3dc: {  	s4 =	sshll.u32 s29, $0x3;
	s2 =	smul.u32 $0xC3800, s2  }
0x3dd: {  	s4 =	sand.u32 $0x7FFFFC00, s4  }
0x3de: {  	s2 =	sadd.s32 s2, s4  }
0x3df: {  	s2 =	sshrl.u32 s2, $0x3  }
0x3e0: {  	s2 =	sadd.s32 s1, s2  }
0x3e1: {  	[tilespmem:s9], [sflag:$0x1] =	stream.linear.gather [hbm4b:s2+s3], $0x400, $0x38;
	[tilespmem:$0x12F00] =	vst v63  }
0x3e2: {  	s30 =	spop (v2sf)  }
0x3e3: {  	s2 =	sshrl.u32 s30, $0x3;
	s31 =	spop (v2sf)  }
0x3e4: {  	s2 =	smul.u32 $0xC3800, s2;
	s4 =	sshll.u32 s31, $0x3  }
0x3e5: {  	s4 =	sand.u32 $0x7FFFFC00, s4  }
0x3e6: {  	s2 =	sadd.s32 s2, s4  }
0x3e7: {  	s2 =	sshrl.u32 s2, $0x3  }
0x3e8: {  	s2 =	sadd.s32 s1, s2  }
0x3e9: {  	[tilespmem:s15], [sflag:$0x1] =	stream.linear.gather [hbm4b:s2+s3], $0x400, $0x38;
	[tilespmem:$0x12F00] =	vst v63  }
.LBB2_14:
0x3ea: {  	s2 =	sshll.u32 s0, $0x2  }
0x3eb: {  	s2 =	sshra.s32 s2, $0x2  }
0x3ec: {  	s4 =	sadd.s32 $0x2, s2  }
0x3ed: {  	s2 =	sadd.s32 $0x282, s2;
	v1 =	vld [tilespmem:s4+$0xFFFFFFFE]  }
0x3ee: {  	v2 =	vld [tilespmem:s2+$0xFFFFFFFE];
	_ =	sdelay $0x3  }
0x3ef: {  	(v2sf) =	vpush v1, $0x0  }
0x3f0: {  	(v2sf) =	vpush v2, $0x0;
	_ =	sdelay $0xa  }
0x3f1: {  	s12 =	sadd.s32 $0x4, s4  }
0x3f2: {  	s6 =	sadd.s32 $0x4, s2;
	v1 =	vld [tilespmem:s12+$0xFFFFFFFE]  }
0x3f3: {  	v2 =	vld [tilespmem:s6+$0xFFFFFFFE]  }
0x3f4: {  	s5 =	spop (v2sf)  }
0x3f5: {  	s7 =	spop (v2sf)  }
0x3f6: {  	s5 =	sand.u32 $0x7F, s5;
	s7 =	sand.u32 $0x7, s7  }
0x3f7: {  	(v2sf) =	vpush v1, $0x0;
	s5 =	sshll.u32 s5, $0x2;
	s7 =	sshll.u32 s7, $0x9  }
0x3f8: {  	(v2sf) =	vpush v2, $0x0;
	s5 =	sor.u32 s5, s7  }
0x3f9: {  	s5 =	sshrl.u32 s5, $0x2  }
0x3fa: {  	s5 =	sadd.s32 $0x8900, s5  }
0x3fb: {  	v1 =	vld [tilespmem:s5+$0x0];
	_ =	sdelay $0x1  }
0x3fc: {  	s22 =	sshll.u32 s0, $0x4  }
0x3fd: {  	s0 =	sand.u32 $0x3FFFFFF0, s22  }
0x3fe: {  	s21 =	sadd.s32 $0x10D20, s0  }
0x3ff: {  	[tilespmem:s21+$0xFFFFFFE0] =	vst v1  }
0x400: {  	v1 =	vld [tilespmem:s4+$0xFFFFFFFF]  }
0x401: {  	v2 =	vld [tilespmem:s2+$0xFFFFFFFF];
	_ =	sdelay $0x2  }
0x402: {  	s9 =	sadd.s32 $0x4, s12  }
0x403: {  	s29 =	sadd.s32 $0x4, s6;
	v3 =	vld [tilespmem:s9+$0xFFFFFFFE];
	s23 =	spop (v2sf);
	(v2sf) =	vpush v1, $0x0  }
0x404: {  	s24 =	spop (v2sf);
	v1 =	vld [tilespmem:s29+$0xFFFFFFFE];
	(v2sf) =	vpush v2, $0x0  }
0x405: {  	s0 =	sand.u32 $0x7F, s23;
	s5 =	sand.u32 $0x7, s24  }
0x406: {  	s0 =	sshll.u32 s0, $0x2;
	s5 =	sshll.u32 s5, $0x9  }
0x407: {  	s0 =	sor.u32 s0, s5  }
0x408: {  	s0 =	sshrl.u32 s0, $0x2;
	(v2sf) =	vpush v3, $0x0  }
0x409: {  	s0 =	sadd.s32 $0x9900, s0;
	(v2sf) =	vpush v1, $0x0  }
0x40a: {  	v1 =	vld [tilespmem:s0+$0x0];
	_ =	sdelay $0x3  }
0x40b: {  	s22 =	sadd.s32 $0x40, s21  }
0x40c: {  	[tilespmem:s22+$0xFFFFFFE0] =	vst v1  }
0x40d: {  	v1 =	vld [tilespmem:s12+$0xFFFFFFFF]  }
0x40e: {  	v2 =	vld [tilespmem:s6+$0xFFFFFFFF]  }
0x40f: {  	s25 =	spop (v2sf)  }
0x410: {  	s26 =	spop (v2sf)  }
0x411: {  	s0 =	sand.u32 $0x7F, s25;
	s5 =	sand.u32 $0x7, s26;
	s26 =	sadd.s32 $0x4, s9  }
0x412: {  	s25 =	sadd.s32 $0x4, s29;
	(v2sf) =	vpush v1, $0x0;
	s0 =	sshll.u32 s0, $0x2;
	s5 =	sshll.u32 s5, $0x9;
	v3 =	vld [tilespmem:s26+$0xFFFFFFFE]  }
0x413: {  	v1 =	vld [tilespmem:s25+$0xFFFFFFFE];
	(v2sf) =	vpush v2, $0x0;
	s0 =	sor.u32 s0, s5  }
0x414: {  	s7 =	spop (v2sf);
	s0 =	sshrl.u32 s0, $0x2  }
0x415: {  	s8 =	spop (v2sf);
	s0 =	sadd.s32 $0x8900, s0  }
0x416: {  	s5 =	sand.u32 $0x7F, s7;
	s10 =	sand.u32 $0x7, s8;
	v2 =	vld [tilespmem:s0+$0x400]  }
0x417: {  	s5 =	sshll.u32 s5, $0x2;
	s0 =	sshll.u32 s10, $0x9;
	(v2sf) =	vpush v3, $0x0  }
0x418: {  	s0 =	sor.u32 s5, s0;
	(v2sf) =	vpush v1, $0x0  }
0x419: {  	s0 =	sshrl.u32 s0, $0x2  }
0x41a: {  	s0 =	sadd.s32 $0xA900, s0  }
0x41b: {  	v1 =	vld [tilespmem:s0+$0x0];
	[tilespmem:s21+$0xFFFFFFF0] =	vst v2  }
0x41c: {  	v2 =	vld [tilespmem:s4+$0x0]  }
0x41d: {  	v3 =	vld [tilespmem:s2+$0x0];
	_ =	sdelay $0x1  }
0x41e: {  	s23 =	sadd.s32 $0x40, s22  }
0x41f: {  	[tilespmem:s23+$0xFFFFFFE0] =	vst v1  }
0x420: {  	s11 =	spop (v2sf);
	v1 =	vld [tilespmem:s9+$0xFFFFFFFF];
	(v2sf) =	vpush v2, $0x0  }
0x421: {  	s13 =	spop (v2sf);
	v2 =	vld [tilespmem:s29+$0xFFFFFFFF];
	(v2sf) =	vpush v3, $0x0  }
0x422: {  	s0 =	sand.u32 $0x7F, s11;
	s5 =	sand.u32 $0x7, s13  }
0x423: {  	s0 =	sshll.u32 s0, $0x2;
	s5 =	sshll.u32 s5, $0x9  }
0x424: {  	s0 =	sor.u32 s0, s5  }
0x425: {  	s0 =	sshrl.u32 s0, $0x2;
	(v2sf) =	vpush v1, $0x0;
	s14 =	spop (v2sf)  }
0x426: {  	s0 =	sadd.s32 $0x9900, s0;
	(v2sf) =	vpush v2, $0x0;
	s15 =	spop (v2sf)  }
0x427: {  	s28 =	sadd.s32 $0x4, s26;
	v1 =	vld [tilespmem:s0+$0x400];
	s5 =	sand.u32 $0x7F, s14;
	s7 =	sand.u32 $0x7, s15  }
0x428: {  	v2 =	vld [tilespmem:s28+$0xFFFFFFFE];
	s0 =	sadd.s32 $0x4, s25;
	s5 =	sshll.u32 s5, $0x2;
	s7 =	sshll.u32 s7, $0x9  }
0x429: {  	v3 =	vld [tilespmem:s0+$0xFFFFFFFE];
	s5 =	sor.u32 s5, s7  }
0x42a: {  	s5 =	sshrl.u32 s5, $0x2  }
0x42b: {  	s5 =	sadd.s32 $0xB900, s5  }
0x42c: {  	[tilespmem:s22+$0xFFFFFFF0] =	vst v1;
	v1 =	vld [tilespmem:s5+$0x0]  }
0x42d: {  	(v2sf) =	vpush v2, $0x0  }
0x42e: {  	(v2sf) =	vpush v3, $0x0  }
0x42f: {  	s16 =	spop (v2sf)  }
0x430: {  	s24 =	sadd.s32 $0x40, s23;
	v2 =	vld [tilespmem:s12+$0x0];
	s18 =	spop (v2sf)  }
0x431: {  	v3 =	vld [tilespmem:s6+$0x0];
	s5 =	sand.u32 $0x7F, s16;
	s7 =	sand.u32 $0x7, s18;
	[tilespmem:s24+$0xFFFFFFE0] =	vst v1  }
0x432: {  	s5 =	sshll.u32 s5, $0x2;
	s7 =	sshll.u32 s7, $0x9;
	v1 =	vld [tilespmem:s26+$0xFFFFFFFF]  }
0x433: {  	s30 =	sadd.s32 $0x4, s28;
	s5 =	sor.u32 s5, s7  }
0x434: {  	v4 =	vld [tilespmem:s30+$0xFFFFFFFE];
	s19 =	spop (v2sf);
	s5 =	sshrl.u32 s5, $0x2  }
0x435: {  	(v2sf) =	vpush v2, $0x0;
	v2 =	vld [tilespmem:s25+$0xFFFFFFFF];
	s8 =	spop (v2sf);
	s5 =	sadd.s32 $0x8900, s5  }
0x436: {  	s31 =	sadd.s32 $0x4, s0;
	(v2sf) =	vpush v3, $0x0;
	s7 =	sand.u32 $0x7F, s19;
	s8 =	sand.u32 $0x7, s8;
	v3 =	vld [tilespmem:s5+$0x800]  }
0x437: {  	s7 =	sshll.u32 s7, $0x2;
	s20 =	sshll.u32 s8, $0x9;
	(v2sf) =	vpush v1, $0x0;
	v1 =	vld [tilespmem:s31+$0xFFFFFFFE]  }
0x438: {  	s5 =	sor.u32 s7, s20  }
0x439: {  	s5 =	sshrl.u32 s5, $0x2  }
0x43a: {  	(v2sf) =	vpush v2, $0x0;
	s5 =	sadd.s32 $0xA900, s5  }
0x43b: {  	(v2sf) =	vpush v4, $0x0;
	v2 =	vld [tilespmem:s5+$0x400]  }
0x43c: {  	s8 =	spop (v2sf);
	[tilespmem:s21+$0x0] =	vst v3;
	(v2sf) =	vpush v1, $0x0  }
0x43d: {  	s10 =	spop (v2sf);
	v3 =	vld [tilespmem:s4+$0x1]  }
0x43e: {  	v5 =	vld [tilespmem:s2+$0x1];
	s2 =	sand.u32 $0x7F, s8;
	s4 =	sand.u32 $0x7, s10  }
0x43f: {  	s2 =	sshll.u32 s2, $0x2;
	s4 =	sshll.u32 s4, $0x9  }
0x440: {  	s2 =	sor.u32 s2, s4;
	[tilespmem:s23+$0xFFFFFFF0] =	vst v2  }
0x441: {  	s2 =	sshrl.u32 s2, $0x2;
	v1 =	vld [tilespmem:s9+$0x0]  }
0x442: {  	s2 =	sadd.s32 $0xC900, s2;
	(v2sf) =	vpush v3, $0x0  }
0x443: {  	v2 =	vld [tilespmem:s2+$0x0];
	(v2sf) =	vpush v5, $0x0  }
0x444: {  	s11 =	spop (v2sf)  }
0x445: {  	s13 =	spop (v2sf)  }
0x446: {  	s14 =	sand.u32 $0x7F, s11;
	s15 =	sand.u32 $0x7, s13;
	(v2sf) =	vpush v1, $0x0;
	v1 =	vld [tilespmem:s29+$0x0]  }
0x447: {  	s2 =	sshll.u32 s14, $0x2;
	s13 =	sadd.s32 $0x40, s24;
	s4 =	sshll.u32 s15, $0x9  }
0x448: {  	s2 =	sor.u32 s2, s4;
	s16 =	spop (v2sf);
	[tilespmem:s13+$0xFFFFFFE0] =	vst v2  }
0x449: {  	s2 =	sshrl.u32 s2, $0x2;
	s18 =	spop (v2sf);
	v3 =	vld [tilespmem:s28+$0xFFFFFFFF]  }
0x44a: {  	s2 =	sadd.s32 $0x9900, s2;
	v62 =	vld [tilespmem:s0+$0xFFFFFFFF];
	s11 =	spop (v2sf)  }
0x44b: {  	s4 =	sand.u32 $0x7F, s16;
	s5 =	sand.u32 $0x7, s18;
	v2 =	vld [tilespmem:s2+$0x800];
	s16 =	spop (v2sf);
	(v2sf) =	vpush v1, $0x0  }
0x44c: {  	s4 =	sshll.u32 s4, $0x2;
	s19 =	sshll.u32 s5, $0x9  }
0x44d: {  	s7 =	sadd.s32 $0x4, s30;
	s2 =	sor.u32 s4, s19  }
0x44e: {  	v63 =	vld [tilespmem:s7+$0xFFFFFFFE];
	s8 =	sadd.s32 $0x4, s31;
	s10 =	simm.s32 $0xB900;
	s2 =	sshrl.u32 s2, $0x2  }
0x44f: {  	v6 =	vld [tilespmem:s8+$0xFFFFFFFE];
	s14 =	simm.s32 $0x8900;
	s11 =	sand.u32 $0x7F, s11;
	s15 =	sadd.s32 $0xB900, s2;
	(v2sf) =	vpush v3, $0x0  }
0x450: {  	s5 =	simm.s32 $0xA900;
	s4 =	simm.s32 $0x9900;
	s11 =	sshll.u32 s11, $0x2;
	[tilespmem:s22+$0x0] =	vst v2;
	v2 =	vld [tilespmem:s15+$0x400];
	(v2sf) =	vpush v62, $0x0  }
0x451: {  	s2 =	simm.s32 $0xC900;
	s16 =	sand.u32 $0x7, s16;
	v7 =	vld [tilespmem:s12+$0x1];
	s20 =	spop (v2sf)  }
0x452: {  	s15 =	simm.s32 $0x18;
	s16 =	sshll.u32 s16, $0x9;
	s18 =	spop (v2sf)  }
0x453: {  	s11 =	sor.u32 s11, s16;
	v1 =	vld [tilespmem:s6+$0x1];
	s12 =	sand.u32 $0x7F, s20;
	s18 =	sand.u32 $0x7, s18  }
0x454: {  	(v2sf) =	vpush v63, $0x0;
	s6 =	smov.u32 s13;
	s19 =	sshll.u32 s12, $0x2;
	s18 =	sshll.u32 s18, $0x9  }
0x455: {  	(v2sf) =	vpush v6, $0x0;
	s20 =	sshrl.u32 s11, $0x2;
	s12 =	simm.s32 $0xD900;
	[tilespmem:s24+$0xFFFFFFF0] =	vst v2;
	s16 =	sor.u32 s19, s18  }
0x456: {  	s11 =	sadd.s32 $0xD900, s20;
	v2 =	vld [tilespmem:s26+$0x0];
	s20 =	spop (v2sf);
	(v2sf) =	vpush v7, $0x0;
	s18 =	sshrl.u32 s16, $0x2  }
.LBB2_15:
0x457: {  	s15 =	sadd.s32 $0x4, s15;
	s14 =	sadd.s32 s18, s14;
	s19 =	smov.u32 s28  }
0x458: {  	v3 =	vld [tilespmem:s11+$0x0];
	(v2sf) =	vpush v1, $0x0;
	s28 =	smov.u32 s30;
	s30 =	smov.u32 s7;
	s11 =	smov.u32 s29  }
0x459: {  	s29 =	smov.u32 s25;
	s25 =	smov.u32 s0;
	p0 =	slt.u32 s15, $0x1C;
	v1 =	vld [tilespmem:s14+$0xC00]  }
0x45a: {  	s0 =	smov.u32 s31;
	s31 =	smov.u32 s8;
	v4 =	vld [tilespmem:s29+$0x0];
	s14 =	spop (v2sf)  }
0x45b: {  	s13 =	sadd.s32 $0x40, s13;
	s16 =	sand.u32 $0x7F, s20;
	s14 =	sand.u32 $0x7, s14  }
0x45c: {  	s16 =	sshll.u32 s16, $0x2;
	(v2sf) =	vpush v2, $0x0;
	s18 =	sshll.u32 s14, $0x9;
	s14 =	smov.u32 s4  }
0x45d: {  	s4 =	smov.u32 s5;
	s5 =	smov.u32 s10;
	[tilespmem:s13+$0xFFFFFFE0] =	vst v3;
	s16 =	sor.u32 s16, s18  }
0x45e: {  	v2 =	vld [tilespmem:s28+$0xFFFFFFFF];
	s10 =	spop (v2sf);
	s16 =	sshrl.u32 s16, $0x2;
	[tilespmem:s21+$0x10] =	vst v1;
	s21 =	smov.u32 s22  }
0x45f: {  	v1 =	vld [tilespmem:s0+$0xFFFFFFFF];
	s10 =	sand.u32 $0x7F, s10;
	s18 =	spop (v2sf);
	(v2sf) =	vpush v4, $0x0;
	s16 =	sadd.s32 s16, s4  }
0x460: {  	s22 =	smov.u32 s23;
	s23 =	smov.u32 s24;
	s18 =	sand.u32 $0x7, s18;
	v3 =	vld [tilespmem:s16+$0x800]  }
0x461: {  	s24 =	smov.u32 s6;
	s10 =	sshll.u32 s10, $0x2;
	s16 =	sshll.u32 s18, $0x9  }
0x462: {  	s7 =	sadd.s32 $0x4, s7;
	s6 =	smov.u32 s13;
	s10 =	sor.u32 s10, s16  }
0x463: {  	s8 =	sadd.s32 $0x4, s8;
	v4 =	vld [tilespmem:s7+$0xFFFFFFFE];
	s16 =	spop (v2sf);
	(v2sf) =	vpush v2, $0x0;
	s10 =	sshrl.u32 s10, $0x2  }
0x464: {  	v2 =	vld [tilespmem:s8+$0xFFFFFFFE];
	s16 =	sand.u32 $0x7F, s16;
	(v2sf) =	vpush v1, $0x0;
	s18 =	sadd.s32 s10, s2;
	s10 =	smov.u32 s2  }
0x465: {  	s20 =	spop (v2sf)  }
0x466: {  	s2 =	smov.u32 s12;
	v5 =	vld [tilespmem:s18+$0x400];
	[tilespmem:s22+$0x0] =	vst v3;
	s18 =	sand.u32 $0x7, s20  }
0x467: {  	s16 =	sshll.u32 s16, $0x2;
	v3 =	vld [tilespmem:s9+$0x1];
	s9 =	spop (v2sf);
	s18 =	sshll.u32 s18, $0x9  }
.Ltmp9:
0x468: {  	v1 =	vld [tilespmem:s11+$0x1];
	s9 =	sand.u32 $0x7F, s9;
	s11 =	spop (v2sf);
	(pc) =	sbr.rel @p0 .LBB2_15-.Ltmp9, $4  }
0x469: {  	(v2sf) =	vpush v4, $0x0;
	s16 =	sor.u32 s16, s18;
	s11 =	sand.u32 $0x7, s11;
	s9 =	sshll.u32 s9, $0x2  }
0x46a: {  	s12 =	sadd.s32 $0x1000, s12;
	s16 =	sshrl.u32 s16, $0x2;
	s18 =	sshll.u32 s11, $0x9  }
0x46b: {  	(v2sf) =	vpush v2, $0x0;
	s11 =	sadd.s32 s16, s12;
	[tilespmem:s24+$0xFFFFFFF0] =	vst v5;
	s16 =	sor.u32 s9, s18;
	s9 =	smov.u32 s26  }
0x46c: {  	s26 =	smov.u32 s19;
	v2 =	vld [tilespmem:s19+$0x0];
	s20 =	spop (v2sf);
	(v2sf) =	vpush v3, $0x0;
	s18 =	sshrl.u32 s16, $0x2  }
.Ltmp10:
0x46d: {  	_ = 	snop;
	(pc) =	sbr.rel .LBB2_16-.Ltmp10, $1  }
0x46e: {  	_ =	sdelay $0x3  }
.LBB2_18:
0x46f: {  	s0 =	simm.s32 $0x0  }
0x470: {  	v1 =	vmov s0  }
0x471: {  	v1 =	vshll.u32 v1, $0x4  }
0x472: {  	v1 =	vor.u32 v0, v1;
	_ =	sdelay $0x1  }
0x473: {  	s31 =	simm.s32 $0x10  }
0x474: {  	v2 =	vmov s31  }
0x475: {  	s4 =	simm.s32 $0x10D00;
	v2 =	vshll.u32 v2, $0x4  }
0x476: {  	v3 =	vld.idx.msk [tilespmem:v1+s4+$0x0], $0xffff;
	v1 =	vor.u32 v0, v2;
	_ =	sdelay $0x1  }
0x477: {  	s2 =	simm.s32 $0x20  }
0x478: {  	v2 =	vmov s2  }
0x479: {  	s0 =	simm.s32 $0x12D00;
	v2 =	vshll.u32 v2, $0x4  }
0x47a: {  	v2 =	vor.u32 v0, v2;
	v1 =	vld.idx.msk [tilespmem:v1+s4+$0x0], $0xffff;
	[tilespmem:s0+$0x0] =	vst v3  }
.LBB2_19:
0x47b: {  	s2 =	sadd.s32 $0x10, s2  }
0x47c: {  	p0 =	slt.u32 s2, $0x1F0  }
.Ltmp11:
0x47d: {  	_ = 	snop;
	(pc) =	sbr.rel @p0 .LBB2_19-.Ltmp11, $4  }
0x47e: {  	_ = 	snop  }
0x47f: {  	s0 =	sadd.s32 $0x10, s0;
	v3 =	vmov s2  }
0x480: {  	v3 =	vshll.u32 v3, $0x4;
	[tilespmem:s0+$0x0] =	vst v1  }
0x481: {  	v1 =	vld.idx.msk [tilespmem:v2+s4+$0x0], $0xffff;
	v2 =	vor.u32 v0, v3  }
0x482: {  	_ =	sdelay $0x3  }
0x483: {  	v2 =	vld.idx.msk [tilespmem:v2+s4+$0x0], $0xffff;
	_ =	sdelay $0x2  }
0x484: {  	s0 =	sadd.s32 $0x10, s0  }
0x485: {  	[tilespmem:s0+$0x0] =	vst v1;
	s0 =	sadd.s32 $0x10, s0  }
0x486: {  	[tilespmem:s0+$0x0] =	vst v2  }
0x487: {  	s2 =	simm.s32 $0x12D00;
	s0 =	rddreg [dreg:$0x7]  }
0x488: {  	[hbm4b:s0+s3] =	stream.linear.scatter [tilespmem:s2], [sflag:$0x3], $0x200, $0x38;
	[tilespmem:$0x12F00] =	vst v63  }
0x489: {  	s2 =	simm.s32 $0x3  }
0x48a: {  	_ =	swait.ge [sflag:s2], $0x200  }
0x48b: {  	s30 =	rddreg [dreg:$0x9]  }
0x48c: {  	s31 =	rddreg [dreg:$0x8];
	s4 =	sadd.s32 $0x1, s30  }
0x48d: {  	p0 =	sne.s32 s4, s31  }
.Ltmp12:
0x48e: {  	_ = 	snop;
	(pc) =	sbr.rel @p0 .LBB2_1-.Ltmp12, $3  }
0x48f: {  	_ =	sdelay $0x1  }
0x490: {  	[sflag:s2] =	ssyncset.done $0x0  }
0x491: {  	[sflag:s2] =	ssyncadd.s32 $0xFFFFFE00  }
0x492: {  	_ =	sfence.sel $0x180000  }
0x493: {  	[bflag:$0x0] =	sbarrier.arrive $0xFFFF  }
0x494: {  	_ =	strace $0x90000047  }
0x495: {  	s0 =	stileid.u32;
	[bflag:$0x2] =	sbarrier.arrive $0xFFFF  }
0x496: {  	p0 =	sne.s32 s0, $0x0;
	s0 =	rddreg [dreg:$0x4]  }
0x497: {  	s0 =	sadd.s32 @!p0 $0x100000, s0  }
0x498: {  	[sflag:s0] =	ssyncadd.tile.s32 @!p0 $0x1;
	_ =	shalt  }
.Lfunc_end2:
_tile_overlayer_lowered:
.L_overlay_start_2:
0x499: {  	(tag) =	ssettag $0x2  }
0x49a: {  	s0 =	rddreg [dreg:$0x0];
	s2 =	stileid.u32  }
0x49b: {  	s1 =	rddreg [dreg:$0x1];
	p0 =	sne.s32 s2, $0x0  }
0x49c: {  	s3 =	rddreg [dreg:$0x2];
	[bflag:$0x3] =	sbarrier.arrive $0xFFFF;
	s2 =	simm.s32 @!p0 $0x1C03  }
0x49d: {  	[timem:s3], [sflag:s2] =	dma.local @!p0 [hbm:s0], s1  }
0x49e: {  	s0 =	simm.s32 @!p0 $0x3  }
0x49f: {  	_ =	swait.ge @!p0 [sflag:s0], s1  }
0x4a0: {  	s1 =	ssub.s32 @!p0 $0x0, s1;
	[sflag:s0] =	ssyncset.done @!p0 $0x0  }
0x4a1: {  	[sflag:s0] =	ssyncadd.s32 @!p0 s1  }
0x4a2: {  	[bflag:$0x3] =	sbarrier.arrive $0xFFFF  }
0x4a3: {  	_ =	shalt  }

</sc_bundles>
